<compile_context>
chip_gen: v7x
topology: tpu7x:2x2x1
jax: 0.10.2.dev20260603
libtpu: 0.0.44.dev20260713+nightly
codegen_flags: <defaults>
</compile_context>

<pallas_src>
import jax
import jax.numpy as jnp
from jax import lax
from jax.experimental import pallas as pl
from jax.experimental.pallas import tpu as pltpu
from jax.experimental.pallas import tpu_sc as plsc

ROWS = 16384
COLS = 2048
L = 16
GROUPS = COLS // L
NUM_WORKERS = 32
IN_R = 16
OUT_R = 8
ROWS_PER_W = ROWS // NUM_WORKERS
NIN = ROWS_PER_W // IN_R
NOUT = ROWS_PER_W // OUT_R


def _sc_body(x_hbm, idx_hbm, out_hbm,
             idx_v, in0, in1, out0, out1, si0, si1, so0, so1):
    nc = 2
    wid = lax.axis_index("s") * nc + lax.axis_index("c")
    row_base = wid * ROWS_PER_W

    ins, outs = [in0, in1], [out0, out1]
    isems, osems = [si0, si1], [so0, so1]

    pltpu.sync_copy(idx_hbm, idx_v)

    def in_src(ib):
        return x_hbm.at[pl.ds(row_base + ib * IN_R, IN_R)]

    def out_dst(ob):
        return out_hbm.at[pl.ds(row_base + ob * OUT_R, OUT_R)]

    pltpu.async_copy(in_src(0), in0, si0)
    pltpu.async_copy(in_src(1), in1, si1)

    def pair_body(p, carry):
        for k in range(2):
            ib = 2 * p + k
            in_v = ins[k]
            pltpu.make_async_copy(in_src(ib), in_v, isems[k]).wait()

            for h in range(2):
                ob = 2 * ib + h
                out_v = outs[h]
                @pl.when(ob >= 2)
                def _wait_out():
                    pltpu.make_async_copy(out_v, out_dst(ob - 2), osems[h]).wait()

                @plsc.parallel_loop(0, GROUPS, unroll=4)
                def g_body(g):
                    col = idx_v[pl.ds(g * L, L)]
                    vals = []
                    for r in range(OUT_R):
                        row_splat = jnp.full((L,), h * OUT_R + r, jnp.int32)
                        vals.append(plsc.load_gather(in_v, [row_splat, col]))
                    for r in range(OUT_R):
                        out_v[r, pl.ds(g * L, L)] = vals[r]

                pltpu.async_copy(out_v, out_dst(ob), osems[h])

            @pl.when(ib + 2 < NIN)
            def _next_in():
                pltpu.async_copy(in_src(ib + 2), in_v, isems[k])
        return carry

    lax.fori_loop(0, NIN // 2, pair_body, 0)

    pltpu.make_async_copy(out0, out_dst(NOUT - 2), so0).wait()
    pltpu.make_async_copy(out1, out_dst(NOUT - 1), so1).wait()


def kernel(x, indices):
    mesh = plsc.VectorSubcoreMesh(core_axis_name="c", subcore_axis_name="s")
    f = pl.kernel(
        _sc_body,
        out_type=jax.ShapeDtypeStruct((ROWS, COLS), jnp.float32),
        mesh=mesh,
        compiler_params=pltpu.CompilerParams(needs_layout_passes=False),
        scratch_types=[
            pltpu.VMEM((COLS,), jnp.int32),
            pltpu.VMEM((IN_R, COLS), jnp.float32),
            pltpu.VMEM((IN_R, COLS), jnp.float32),
            pltpu.VMEM((OUT_R, COLS), jnp.float32),
            pltpu.VMEM((OUT_R, COLS), jnp.float32),
            pltpu.SemaphoreType.DMA,
            pltpu.SemaphoreType.DMA,
            pltpu.SemaphoreType.DMA,
            pltpu.SemaphoreType.DMA,
        ],
    )
    return f(x, indices)

# --- scband reference (transcript-rebuilt; emitter-appended) ---
"""Pipeline reference for scband-shuffle-features-81441169867139 (READ-ONLY COPY).

The authoritative reference and input builder live on the scoring server;
editing this copy changes nothing except your own understanding.
"""

import jax, jax.numpy as jnp
import numpy as np

NUM_CHANNELS = 2048

def setup_inputs(seed: int = 0) -> dict:
    key = jax.random.key(seed)
    kx, kp = jax.random.split(key)
    x = jax.random.normal(kx, (16384, NUM_CHANNELS), dtype=jnp.float32)
    # buffer: fixed random permutation created at module init
    indices = jax.random.permutation(kp, NUM_CHANNELS)
    indices = indices.astype(jnp.int32)
    return {"x": x, "indices": indices}

def reference(x, indices):
    # forward(x, reverse=False): gather columns by the shuffled permutation
    return jnp.take(x, indices, axis=1)

if __name__ == "__main__":
    import jax
    _d = setup_inputs()
    print(jax.jit(kernel)(*tuple(_d.values())))

</pallas_src>

<mosaic_0001>
#map = affine_map<(d0, d1) -> (0, 0)>
#map1 = affine_map<(d0, d1) -> (0)>
module attributes {stable_mosaic.version = 14 : i64} {
  func.func @_sc_body(%arg0: i32, %arg1: i32, %arg2: memref<16384x2048xf32, #tpu.memory_space<hbm>>, %arg3: memref<2048xi32, #tpu.memory_space<hbm>>, %arg4: memref<16384x2048xf32, #tpu.memory_space<hbm>>, %arg5: memref<2048xi32, #tpu.memory_space<vmem>>, %arg6: memref<16x2048xf32, #tpu.memory_space<vmem>>, %arg7: memref<16x2048xf32, #tpu.memory_space<vmem>>, %arg8: memref<8x2048xf32, #tpu.memory_space<vmem>>, %arg9: memref<8x2048xf32, #tpu.memory_space<vmem>>, %arg10: memref<!tpu.dma_semaphore, #tpu.memory_space<semaphore_mem>>, %arg11: memref<!tpu.dma_semaphore, #tpu.memory_space<semaphore_mem>>, %arg12: memref<!tpu.dma_semaphore, #tpu.memory_space<semaphore_mem>>, %arg13: memref<!tpu.dma_semaphore, #tpu.memory_space<semaphore_mem>>) attributes {dimension_semantics = [#tpu.dimension_semantics<core_parallel>, #tpu.dimension_semantics<subcore_parallel>], iteration_bounds = array<i64: 2, 16>, scalar_prefetch = 0 : i64, scratch_operands = 9 : i64, tpu.core_type = #tpu.core_type<sc_vector_subcore>, window_params = [{transform_indices = #map}, {transform_indices = #map1}, {transform_indices = #map}]} {
    %mul3A = arith.constant 2 : i32
    %mul3A_0 = arith.muli %arg1, %mul3A : i32
    %add3A = arith.addi %mul3A_0, %arg0 : i32
    %mul3A_1 = arith.constant 512 : i32
    %mul3A_2 = arith.muli %add3A, %mul3A_1 : i32
    "tpu.region"() ({
      %run_scoped3A = tpu.sem_alloc : memref<!tpu.dma_semaphore, #tpu.memory_space<semaphore_mem>>
      tpu.enqueue_dma source(%arg3 : memref<2048xi32, #tpu.memory_space<hbm>>) target(%arg5 : memref<2048xi32, #tpu.memory_space<vmem>>) target_semaphore(%run_scoped3A : memref<!tpu.dma_semaphore, #tpu.memory_space<semaphore_mem>>)
      tpu.wait_dma2 semaphore(%run_scoped3A : memref<!tpu.dma_semaphore, #tpu.memory_space<semaphore_mem>>) src(%arg3 : memref<2048xi32, #tpu.memory_space<hbm>>) dst(%arg5 : memref<2048xi32, #tpu.memory_space<vmem>>)
      tpu.yield
    }) : () -> ()
    %add3A_3 = arith.constant 0 : i32
    %add3A_4 = arith.addi %mul3A_2, %add3A_3 : i32
    %dma_start3A = arith.constant 0 : i32
    %dma_start3A_5 = tpu.memref_slice %arg2[%add3A_4, %dma_start3A] : memref<16384x2048xf32, #tpu.memory_space<hbm>> -> memref<16x2048xf32, #tpu.memory_space<hbm>>
    %dma_start3A_6 = arith.constant 0 : i32
    %dma_start3A_7 = tpu.memref_slice %arg2[%add3A_4, %dma_start3A_6] : memref<16384x2048xf32, #tpu.memory_space<hbm>> -> memref<16x2048xf32, #tpu.memory_space<hbm>>
    tpu.enqueue_dma source(%dma_start3A_7 : memref<16x2048xf32, #tpu.memory_space<hbm>>) target(%arg6 : memref<16x2048xf32, #tpu.memory_space<vmem>>) target_semaphore(%arg10 : memref<!tpu.dma_semaphore, #tpu.memory_space<semaphore_mem>>)
    %add3A_8 = arith.constant 16 : i32
    %add3A_9 = arith.addi %mul3A_2, %add3A_8 : i32
    %dma_start3A_10 = arith.constant 0 : i32
    %dma_start3A_11 = tpu.memref_slice %arg2[%add3A_9, %dma_start3A_10] : memref<16384x2048xf32, #tpu.memory_space<hbm>> -> memref<16x2048xf32, #tpu.memory_space<hbm>>
    %dma_start3A_12 = arith.constant 0 : i32
    %dma_start3A_13 = tpu.memref_slice %arg2[%add3A_9, %dma_start3A_12] : memref<16384x2048xf32, #tpu.memory_space<hbm>> -> memref<16x2048xf32, #tpu.memory_space<hbm>>
    tpu.enqueue_dma source(%dma_start3A_13 : memref<16x2048xf32, #tpu.memory_space<hbm>>) target(%arg7 : memref<16x2048xf32, #tpu.memory_space<vmem>>) target_semaphore(%arg11 : memref<!tpu.dma_semaphore, #tpu.memory_space<semaphore_mem>>)
    %scan3A = arith.constant 0 : i32
    %scan3A_14 = arith.constant 0 : i32
    %scan3A_15 = arith.constant 16 : i32
    %scan3A_16 = arith.addi %scan3A_14, %scan3A_15 : i32
    %scan3A_17 = arith.constant 1 : i32
    scf.for %scan3A_30 = %scan3A_14 to %scan3A_16 step %scan3A_17  : i32 {
      %mul3A_31 = arith.constant 2 : i32
      %mul3A_32 = arith.muli %mul3A_31, %scan3A_30 : i32
      %add3A_33 = arith.constant 0 : i32
      %add3A_34 = arith.addi %mul3A_32, %add3A_33 : i32
      %mul3A_35 = arith.constant 16 : i32
      %mul3A_36 = arith.muli %add3A_34, %mul3A_35 : i32
      %add3A_37 = arith.addi %mul3A_2, %mul3A_36 : i32
      %dma_wait3A_38 = arith.constant 0 : i32
      %dma_wait3A_39 = tpu.memref_slice %arg2[%add3A_37, %dma_wait3A_38] : memref<16384x2048xf32, #tpu.memory_space<hbm>> -> memref<16x2048xf32, #tpu.memory_space<hbm>>
      %dma_wait3A_40 = arith.constant 0 : i32
      %dma_wait3A_41 = tpu.memref_slice %arg2[%add3A_37, %dma_wait3A_40] : memref<16384x2048xf32, #tpu.memory_space<hbm>> -> memref<16x2048xf32, #tpu.memory_space<hbm>>
      tpu.wait_dma2 semaphore(%arg10 : memref<!tpu.dma_semaphore, #tpu.memory_space<semaphore_mem>>) src(%dma_wait3A_41 : memref<16x2048xf32, #tpu.memory_space<hbm>>) dst(%arg6 : memref<16x2048xf32, #tpu.memory_space<vmem>>)
      %mul3A_42 = arith.constant 2 : i32
      %mul3A_43 = arith.muli %mul3A_42, %add3A_34 : i32
      %add3A_44 = arith.constant 0 : i32
      %add3A_45 = arith.addi %mul3A_43, %add3A_44 : i32
      %ge3A = arith.constant 2 : i32
      %ge3A_46 = arith.cmpi sge, %add3A_45, %ge3A : i32
      %convert_element_type3A = arith.extui %ge3A_46 : i1 to i32
      %cond3A = arith.constant 0 : i32
      %cond3A_47 = arith.cmpi ne, %convert_element_type3A, %cond3A : i32
      scf.if %cond3A_47 {
        %sub3A = arith.constant 2 : i32
        %sub3A_138 = arith.subi %add3A_45, %sub3A : i32
        %mul3A_139 = arith.constant 8 : i32
        %mul3A_140 = arith.muli %sub3A_138, %mul3A_139 : i32
        %add3A_141 = arith.addi %mul3A_2, %mul3A_140 : i32
        %dma_wait3A_142 = arith.constant 0 : i32
        %dma_wait3A_143 = tpu.memref_slice %arg4[%add3A_141, %dma_wait3A_142] : memref<16384x2048xf32, #tpu.memory_space<hbm>> -> memref<8x2048xf32, #tpu.memory_space<hbm>>
        %dma_wait3A_144 = arith.constant 0 : i32
        %dma_wait3A_145 = tpu.memref_slice %arg4[%add3A_141, %dma_wait3A_144] : memref<16384x2048xf32, #tpu.memory_space<hbm>> -> memref<8x2048xf32, #tpu.memory_space<hbm>>
        tpu.wait_dma2 semaphore(%arg12 : memref<!tpu.dma_semaphore, #tpu.memory_space<semaphore_mem>>) src(%arg8 : memref<8x2048xf32, #tpu.memory_space<vmem>>) dst(%dma_wait3A_145 : memref<8x2048xf32, #tpu.memory_space<hbm>>)
      } else {
      }
      %parallel_loop3A = arith.constant 0 : i32
      %parallel_loop3A_48 = arith.constant 128 : i32
      %parallel_loop3A_49 = arith.constant 1 : i32
      scf.for %parallel_loop3A_138 = %parallel_loop3A to %parallel_loop3A_48 step %parallel_loop3A_49  : i32 {
        %parallel_loop3A_139 = arith.constant 16 : i32
        %parallel_loop3A_140 = arith.muli %parallel_loop3A_138, %parallel_loop3A_139 : i32
        %parallel_loop3A_141 = arith.index_cast %parallel_loop3A_140 : i32 to index
        %parallel_loop3A_142 = tpu.vector_load %arg5[%parallel_loop3A_141] {strides = array<i32>} : memref<2048xi32, #tpu.memory_space<vmem>>, vector<16xi32>,
        %parallel_loop3A_143 = arith.constant 0 : i32
        %parallel_loop3A_144 = vector.broadcast %parallel_loop3A_143 : i32 to vector<16xi32>
        %parallel_loop3A_145 = tpu.vector_load_idx %arg6[%parallel_loop3A_144, %parallel_loop3A_142] : memref<16x2048xf32, #tpu.memory_space<vmem>>[vector<16xi32>, vector<16xi32>], vector<16xf32>,
        %parallel_loop3A_146 = arith.constant 1 : i32
        %parallel_loop3A_147 = vector.broadcast %parallel_loop3A_146 : i32 to vector<16xi32>
        %parallel_loop3A_148 = tpu.vector_load_idx %arg6[%parallel_loop3A_147, %parallel_loop3A_142] : memref<16x2048xf32, #tpu.memory_space<vmem>>[vector<16xi32>, vector<16xi32>], vector<16xf32>,
        %parallel_loop3A_149 = arith.constant 2 : i32
        %parallel_loop3A_150 = vector.broadcast %parallel_loop3A_149 : i32 to vector<16xi32>
        %parallel_loop3A_151 = tpu.vector_load_idx %arg6[%parallel_loop3A_150, %parallel_loop3A_142] : memref<16x2048xf32, #tpu.memory_space<vmem>>[vector<16xi32>, vector<16xi32>], vector<16xf32>,
        %parallel_loop3A_152 = arith.constant 3 : i32
        %parallel_loop3A_153 = vector.broadcast %parallel_loop3A_152 : i32 to vector<16xi32>
        %parallel_loop3A_154 = tpu.vector_load_idx %arg6[%parallel_loop3A_153, %parallel_loop3A_142] : memref<16x2048xf32, #tpu.memory_space<vmem>>[vector<16xi32>, vector<16xi32>], vector<16xf32>,
        %parallel_loop3A_155 = arith.constant 4 : i32
        %parallel_loop3A_156 = vector.broadcast %parallel_loop3A_155 : i32 to vector<16xi32>
        %parallel_loop3A_157 = tpu.vector_load_idx %arg6[%parallel_loop3A_156, %parallel_loop3A_142] : memref<16x2048xf32, #tpu.memory_space<vmem>>[vector<16xi32>, vector<16xi32>], vector<16xf32>,
        %parallel_loop3A_158 = arith.constant 5 : i32
        %parallel_loop3A_159 = vector.broadcast %parallel_loop3A_158 : i32 to vector<16xi32>
        %parallel_loop3A_160 = tpu.vector_load_idx %arg6[%parallel_loop3A_159, %parallel_loop3A_142] : memref<16x2048xf32, #tpu.memory_space<vmem>>[vector<16xi32>, vector<16xi32>], vector<16xf32>,
        %parallel_loop3A_161 = arith.constant 6 : i32
        %parallel_loop3A_162 = vector.broadcast %parallel_loop3A_161 : i32 to vector<16xi32>
        %parallel_loop3A_163 = tpu.vector_load_idx %arg6[%parallel_loop3A_162, %parallel_loop3A_142] : memref<16x2048xf32, #tpu.memory_space<vmem>>[vector<16xi32>, vector<16xi32>], vector<16xf32>,
        %parallel_loop3A_164 = arith.constant 7 : i32
        %parallel_loop3A_165 = vector.broadcast %parallel_loop3A_164 : i32 to vector<16xi32>
        %parallel_loop3A_166 = tpu.vector_load_idx %arg6[%parallel_loop3A_165, %parallel_loop3A_142] : memref<16x2048xf32, #tpu.memory_space<vmem>>[vector<16xi32>, vector<16xi32>], vector<16xf32>,
        %parallel_loop3A_167 = arith.constant 16 : i32
        %parallel_loop3A_168 = arith.muli %parallel_loop3A_138, %parallel_loop3A_167 : i32
        %parallel_loop3A_169 = arith.constant 0 : i32
        %parallel_loop3A_170 = arith.index_cast %parallel_loop3A_169 : i32 to index
        %parallel_loop3A_171 = arith.index_cast %parallel_loop3A_168 : i32 to index
        %parallel_loop3A_172 = tpu.vector_load %arg8[%parallel_loop3A_170, %parallel_loop3A_171] {strides = array<i32>} : memref<8x2048xf32, #tpu.memory_space<vmem>>, vector<16xf32>,
        tpu.vector_store %arg8[%parallel_loop3A_170, %parallel_loop3A_171], %parallel_loop3A_145 {strides = array<i32>} : memref<8x2048xf32, #tpu.memory_space<vmem>>, vector<16xf32>,
        %parallel_loop3A_173 = arith.constant 16 : i32
        %parallel_loop3A_174 = arith.muli %parallel_loop3A_138, %parallel_loop3A_173 : i32
        %parallel_loop3A_175 = arith.constant 1 : i32
        %parallel_loop3A_176 = arith.index_cast %parallel_loop3A_175 : i32 to index
        %parallel_loop3A_177 = arith.index_cast %parallel_loop3A_174 : i32 to index
        %parallel_loop3A_178 = tpu.vector_load %arg8[%parallel_loop3A_176, %parallel_loop3A_177] {strides = array<i32>} : memref<8x2048xf32, #tpu.memory_space<vmem>>, vector<16xf32>,
        tpu.vector_store %arg8[%parallel_loop3A_176, %parallel_loop3A_177], %parallel_loop3A_148 {strides = array<i32>} : memref<8x2048xf32, #tpu.memory_space<vmem>>, vector<16xf32>,
        %parallel_loop3A_179 = arith.constant 16 : i32
        %parallel_loop3A_180 = arith.muli %parallel_loop3A_138, %parallel_loop3A_179 : i32
        %parallel_loop3A_181 = arith.constant 2 : i32
        %parallel_loop3A_182 = arith.index_cast %parallel_loop3A_181 : i32 to index
        %parallel_loop3A_183 = arith.index_cast %parallel_loop3A_180 : i32 to index
        %parallel_loop3A_184 = tpu.vector_load %arg8[%parallel_loop3A_182, %parallel_loop3A_183] {strides = array<i32>} : memref<8x2048xf32, #tpu.memory_space<vmem>>, vector<16xf32>,
        tpu.vector_store %arg8[%parallel_loop3A_182, %parallel_loop3A_183], %parallel_loop3A_151 {strides = array<i32>} : memref<8x2048xf32, #tpu.memory_space<vmem>>, vector<16xf32>,
        %parallel_loop3A_185 = arith.constant 16 : i32
        %parallel_loop3A_186 = arith.muli %parallel_loop3A_138, %parallel_loop3A_185 : i32
        %parallel_loop3A_187 = arith.constant 3 : i32
        %parallel_loop3A_188 = arith.index_cast %parallel_loop3A_187 : i32 to index
        %parallel_loop3A_189 = arith.index_cast %parallel_loop3A_186 : i32 to index
        %parallel_loop3A_190 = tpu.vector_load %arg8[%parallel_loop3A_188, %parallel_loop3A_189] {strides = array<i32>} : memref<8x2048xf32, #tpu.memory_space<vmem>>, vector<16xf32>,
        tpu.vector_store %arg8[%parallel_loop3A_188, %parallel_loop3A_189], %parallel_loop3A_154 {strides = array<i32>} : memref<8x2048xf32, #tpu.memory_space<vmem>>, vector<16xf32>,
        %parallel_loop3A_191 = arith.constant 16 : i32
        %parallel_loop3A_192 = arith.muli %parallel_loop3A_138, %parallel_loop3A_191 : i32
        %parallel_loop3A_193 = arith.constant 4 : i32
        %parallel_loop3A_194 = arith.index_cast %parallel_loop3A_193 : i32 to index
        %parallel_loop3A_195 = arith.index_cast %parallel_loop3A_192 : i32 to index
        %parallel_loop3A_196 = tpu.vector_load %arg8[%parallel_loop3A_194, %parallel_loop3A_195] {strides = array<i32>} : memref<8x2048xf32, #tpu.memory_space<vmem>>, vector<16xf32>,
        tpu.vector_store %arg8[%parallel_loop3A_194, %parallel_loop3A_195], %parallel_loop3A_157 {strides = array<i32>} : memref<8x2048xf32, #tpu.memory_space<vmem>>, vector<16xf32>,
        %parallel_loop3A_197 = arith.constant 16 : i32
        %parallel_loop3A_198 = arith.muli %parallel_loop3A_138, %parallel_loop3A_197 : i32
        %parallel_loop3A_199 = arith.constant 5 : i32
        %parallel_loop3A_200 = arith.index_cast %parallel_loop3A_199 : i32 to index
        %parallel_loop3A_201 = arith.index_cast %parallel_loop3A_198 : i32 to index
        %parallel_loop3A_202 = tpu.vector_load %arg8[%parallel_loop3A_200, %parallel_loop3A_201] {strides = array<i32>} : memref<8x2048xf32, #tpu.memory_space<vmem>>, vector<16xf32>,
        tpu.vector_store %arg8[%parallel_loop3A_200, %parallel_loop3A_201], %parallel_loop3A_160 {strides = array<i32>} : memref<8x2048xf32, #tpu.memory_space<vmem>>, vector<16xf32>,
        %parallel_loop3A_203 = arith.constant 16 : i32
        %parallel_loop3A_204 = arith.muli %parallel_loop3A_138, %parallel_loop3A_203 : i32
        %parallel_loop3A_205 = arith.constant 6 : i32
        %parallel_loop3A_206 = arith.index_cast %parallel_loop3A_205 : i32 to index
        %parallel_loop3A_207 = arith.index_cast %parallel_loop3A_204 : i32 to index
        %parallel_loop3A_208 = tpu.vector_load %arg8[%parallel_loop3A_206, %parallel_loop3A_207] {strides = array<i32>} : memref<8x2048xf32, #tpu.memory_space<vmem>>, vector<16xf32>,
        tpu.vector_store %arg8[%parallel_loop3A_206, %parallel_loop3A_207], %parallel_loop3A_163 {strides = array<i32>} : memref<8x2048xf32, #tpu.memory_space<vmem>>, vector<16xf32>,
        %parallel_loop3A_209 = arith.constant 16 : i32
        %parallel_loop3A_210 = arith.muli %parallel_loop3A_138, %parallel_loop3A_209 : i32
        %parallel_loop3A_211 = arith.constant 7 : i32
        %parallel_loop3A_212 = arith.index_cast %parallel_loop3A_211 : i32 to index
        %parallel_loop3A_213 = arith.index_cast %parallel_loop3A_210 : i32 to index
        %parallel_loop3A_214 = tpu.vector_load %arg8[%parallel_loop3A_212, %parallel_loop3A_213] {strides = array<i32>} : memref<8x2048xf32, #tpu.memory_space<vmem>>, vector<16xf32>,
        tpu.vector_store %arg8[%parallel_loop3A_212, %parallel_loop3A_213], %parallel_loop3A_166 {strides = array<i32>} : memref<8x2048xf32, #tpu.memory_space<vmem>>, vector<16xf32>,
      } {sc.loop_unroll_factor = 4 : i64, sc.parallel_access}
      %mul3A_50 = arith.constant 8 : i32
      %mul3A_51 = arith.muli %add3A_45, %mul3A_50 : i32
      %add3A_52 = arith.addi %mul3A_2, %mul3A_51 : i32
      %dma_start3A_53 = arith.constant 0 : i32
      %dma_start3A_54 = tpu.memref_slice %arg4[%add3A_52, %dma_start3A_53] : memref<16384x2048xf32, #tpu.memory_space<hbm>> -> memref<8x2048xf32, #tpu.memory_space<hbm>>
      %dma_start3A_55 = arith.constant 0 : i32
      %dma_start3A_56 = tpu.memref_slice %arg4[%add3A_52, %dma_start3A_55] : memref<16384x2048xf32, #tpu.memory_space<hbm>> -> memref<8x2048xf32, #tpu.memory_space<hbm>>
      tpu.enqueue_dma source(%arg8 : memref<8x2048xf32, #tpu.memory_space<vmem>>) target(%dma_start3A_56 : memref<8x2048xf32, #tpu.memory_space<hbm>>) target_semaphore(%arg12 : memref<!tpu.dma_semaphore, #tpu.memory_space<semaphore_mem>>)
      %mul3A_57 = arith.constant 2 : i32
      %mul3A_58 = arith.muli %mul3A_57, %add3A_34 : i32
      %add3A_59 = arith.constant 1 : i32
      %add3A_60 = arith.addi %mul3A_58, %add3A_59 : i32
      %ge3A_61 = arith.constant 2 : i32
      %ge3A_62 = arith.cmpi sge, %add3A_60, %ge3A_61 : i32
      %convert_element_type3A_63 = arith.extui %ge3A_62 : i1 to i32
      %cond3A_64 = arith.constant 0 : i32
      %cond3A_65 = arith.cmpi ne, %convert_element_type3A_63, %cond3A_64 : i32
      scf.if %cond3A_65 {
        %sub3A = arith.constant 2 : i32
        %sub3A_138 = arith.subi %add3A_60, %sub3A : i32
        %mul3A_139 = arith.constant 8 : i32
        %mul3A_140 = arith.muli %sub3A_138, %mul3A_139 : i32
        %add3A_141 = arith.addi %mul3A_2, %mul3A_140 : i32
        %dma_wait3A_142 = arith.constant 0 : i32
        %dma_wait3A_143 = tpu.memref_slice %arg4[%add3A_141, %dma_wait3A_142] : memref<16384x2048xf32, #tpu.memory_space<hbm>> -> memref<8x2048xf32, #tpu.memory_space<hbm>>
        %dma_wait3A_144 = arith.constant 0 : i32
        %dma_wait3A_145 = tpu.memref_slice %arg4[%add3A_141, %dma_wait3A_144] : memref<16384x2048xf32, #tpu.memory_space<hbm>> -> memref<8x2048xf32, #tpu.memory_space<hbm>>
        tpu.wait_dma2 semaphore(%arg13 : memref<!tpu.dma_semaphore, #tpu.memory_space<semaphore_mem>>) src(%arg9 : memref<8x2048xf32, #tpu.memory_space<vmem>>) dst(%dma_wait3A_145 : memref<8x2048xf32, #tpu.memory_space<hbm>>)
      } else {
      }
      %parallel_loop3A_66 = arith.constant 0 : i32
      %parallel_loop3A_67 = arith.constant 128 : i32
      %parallel_loop3A_68 = arith.constant 1 : i32
      scf.for %parallel_loop3A_138 = %parallel_loop3A_66 to %parallel_loop3A_67 step %parallel_loop3A_68  : i32 {
        %parallel_loop3A_139 = arith.constant 16 : i32
        %parallel_loop3A_140 = arith.muli %parallel_loop3A_138, %parallel_loop3A_139 : i32
        %parallel_loop3A_141 = arith.index_cast %parallel_loop3A_140 : i32 to index
        %parallel_loop3A_142 = tpu.vector_load %arg5[%parallel_loop3A_141] {strides = array<i32>} : memref<2048xi32, #tpu.memory_space<vmem>>, vector<16xi32>,
        %parallel_loop3A_143 = arith.constant 8 : i32
        %parallel_loop3A_144 = vector.broadcast %parallel_loop3A_143 : i32 to vector<16xi32>
        %parallel_loop3A_145 = tpu.vector_load_idx %arg6[%parallel_loop3A_144, %parallel_loop3A_142] : memref<16x2048xf32, #tpu.memory_space<vmem>>[vector<16xi32>, vector<16xi32>], vector<16xf32>,
        %parallel_loop3A_146 = arith.constant 9 : i32
        %parallel_loop3A_147 = vector.broadcast %parallel_loop3A_146 : i32 to vector<16xi32>
        %parallel_loop3A_148 = tpu.vector_load_idx %arg6[%parallel_loop3A_147, %parallel_loop3A_142] : memref<16x2048xf32, #tpu.memory_space<vmem>>[vector<16xi32>, vector<16xi32>], vector<16xf32>,
        %parallel_loop3A_149 = arith.constant 10 : i32
        %parallel_loop3A_150 = vector.broadcast %parallel_loop3A_149 : i32 to vector<16xi32>
        %parallel_loop3A_151 = tpu.vector_load_idx %arg6[%parallel_loop3A_150, %parallel_loop3A_142] : memref<16x2048xf32, #tpu.memory_space<vmem>>[vector<16xi32>, vector<16xi32>], vector<16xf32>,
        %parallel_loop3A_152 = arith.constant 11 : i32
        %parallel_loop3A_153 = vector.broadcast %parallel_loop3A_152 : i32 to vector<16xi32>
        %parallel_loop3A_154 = tpu.vector_load_idx %arg6[%parallel_loop3A_153, %parallel_loop3A_142] : memref<16x2048xf32, #tpu.memory_space<vmem>>[vector<16xi32>, vector<16xi32>], vector<16xf32>,
        %parallel_loop3A_155 = arith.constant 12 : i32
        %parallel_loop3A_156 = vector.broadcast %parallel_loop3A_155 : i32 to vector<16xi32>
        %parallel_loop3A_157 = tpu.vector_load_idx %arg6[%parallel_loop3A_156, %parallel_loop3A_142] : memref<16x2048xf32, #tpu.memory_space<vmem>>[vector<16xi32>, vector<16xi32>], vector<16xf32>,
        %parallel_loop3A_158 = arith.constant 13 : i32
        %parallel_loop3A_159 = vector.broadcast %parallel_loop3A_158 : i32 to vector<16xi32>
        %parallel_loop3A_160 = tpu.vector_load_idx %arg6[%parallel_loop3A_159, %parallel_loop3A_142] : memref<16x2048xf32, #tpu.memory_space<vmem>>[vector<16xi32>, vector<16xi32>], vector<16xf32>,
        %parallel_loop3A_161 = arith.constant 14 : i32
        %parallel_loop3A_162 = vector.broadcast %parallel_loop3A_161 : i32 to vector<16xi32>
        %parallel_loop3A_163 = tpu.vector_load_idx %arg6[%parallel_loop3A_162, %parallel_loop3A_142] : memref<16x2048xf32, #tpu.memory_space<vmem>>[vector<16xi32>, vector<16xi32>], vector<16xf32>,
        %parallel_loop3A_164 = arith.constant 15 : i32
        %parallel_loop3A_165 = vector.broadcast %parallel_loop3A_164 : i32 to vector<16xi32>
        %parallel_loop3A_166 = tpu.vector_load_idx %arg6[%parallel_loop3A_165, %parallel_loop3A_142] : memref<16x2048xf32, #tpu.memory_space<vmem>>[vector<16xi32>, vector<16xi32>], vector<16xf32>,
        %parallel_loop3A_167 = arith.constant 16 : i32
        %parallel_loop3A_168 = arith.muli %parallel_loop3A_138, %parallel_loop3A_167 : i32
        %parallel_loop3A_169 = arith.constant 0 : i32
        %parallel_loop3A_170 = arith.index_cast %parallel_loop3A_169 : i32 to index
        %parallel_loop3A_171 = arith.index_cast %parallel_loop3A_168 : i32 to index
        %parallel_loop3A_172 = tpu.vector_load %arg9[%parallel_loop3A_170, %parallel_loop3A_171] {strides = array<i32>} : memref<8x2048xf32, #tpu.memory_space<vmem>>, vector<16xf32>,
        tpu.vector_store %arg9[%parallel_loop3A_170, %parallel_loop3A_171], %parallel_loop3A_145 {strides = array<i32>} : memref<8x2048xf32, #tpu.memory_space<vmem>>, vector<16xf32>,
        %parallel_loop3A_173 = arith.constant 16 : i32
        %parallel_loop3A_174 = arith.muli %parallel_loop3A_138, %parallel_loop3A_173 : i32
        %parallel_loop3A_175 = arith.constant 1 : i32
        %parallel_loop3A_176 = arith.index_cast %parallel_loop3A_175 : i32 to index
        %parallel_loop3A_177 = arith.index_cast %parallel_loop3A_174 : i32 to index
        %parallel_loop3A_178 = tpu.vector_load %arg9[%parallel_loop3A_176, %parallel_loop3A_177] {strides = array<i32>} : memref<8x2048xf32, #tpu.memory_space<vmem>>, vector<16xf32>,
        tpu.vector_store %arg9[%parallel_loop3A_176, %parallel_loop3A_177], %parallel_loop3A_148 {strides = array<i32>} : memref<8x2048xf32, #tpu.memory_space<vmem>>, vector<16xf32>,
        %parallel_loop3A_179 = arith.constant 16 : i32
        %parallel_loop3A_180 = arith.muli %parallel_loop3A_138, %parallel_loop3A_179 : i32
        %parallel_loop3A_181 = arith.constant 2 : i32
        %parallel_loop3A_182 = arith.index_cast %parallel_loop3A_181 : i32 to index
        %parallel_loop3A_183 = arith.index_cast %parallel_loop3A_180 : i32 to index
        %parallel_loop3A_184 = tpu.vector_load %arg9[%parallel_loop3A_182, %parallel_loop3A_183] {strides = array<i32>} : memref<8x2048xf32, #tpu.memory_space<vmem>>, vector<16xf32>,
        tpu.vector_store %arg9[%parallel_loop3A_182, %parallel_loop3A_183], %parallel_loop3A_151 {strides = array<i32>} : memref<8x2048xf32, #tpu.memory_space<vmem>>, vector<16xf32>,
        %parallel_loop3A_185 = arith.constant 16 : i32
        %parallel_loop3A_186 = arith.muli %parallel_loop3A_138, %parallel_loop3A_185 : i32
        %parallel_loop3A_187 = arith.constant 3 : i32
        %parallel_loop3A_188 = arith.index_cast %parallel_loop3A_187 : i32 to index
        %parallel_loop3A_189 = arith.index_cast %parallel_loop3A_186 : i32 to index
        %parallel_loop3A_190 = tpu.vector_load %arg9[%parallel_loop3A_188, %parallel_loop3A_189] {strides = array<i32>} : memref<8x2048xf32, #tpu.memory_space<vmem>>, vector<16xf32>,
        tpu.vector_store %arg9[%parallel_loop3A_188, %parallel_loop3A_189], %parallel_loop3A_154 {strides = array<i32>} : memref<8x2048xf32, #tpu.memory_space<vmem>>, vector<16xf32>,
        %parallel_loop3A_191 = arith.constant 16 : i32
        %parallel_loop3A_192 = arith.muli %parallel_loop3A_138, %parallel_loop3A_191 : i32
        %parallel_loop3A_193 = arith.constant 4 : i32
        %parallel_loop3A_194 = arith.index_cast %parallel_loop3A_193 : i32 to index
        %parallel_loop3A_195 = arith.index_cast %parallel_loop3A_192 : i32 to index
        %parallel_loop3A_196 = tpu.vector_load %arg9[%parallel_loop3A_194, %parallel_loop3A_195] {strides = array<i32>} : memref<8x2048xf32, #tpu.memory_space<vmem>>, vector<16xf32>,
        tpu.vector_store %arg9[%parallel_loop3A_194, %parallel_loop3A_195], %parallel_loop3A_157 {strides = array<i32>} : memref<8x2048xf32, #tpu.memory_space<vmem>>, vector<16xf32>,
        %parallel_loop3A_197 = arith.constant 16 : i32
        %parallel_loop3A_198 = arith.muli %parallel_loop3A_138, %parallel_loop3A_197 : i32
        %parallel_loop3A_199 = arith.constant 5 : i32
        %parallel_loop3A_200 = arith.index_cast %parallel_loop3A_199 : i32 to index
        %parallel_loop3A_201 = arith.index_cast %parallel_loop3A_198 : i32 to index
        %parallel_loop3A_202 = tpu.vector_load %arg9[%parallel_loop3A_200, %parallel_loop3A_201] {strides = array<i32>} : memref<8x2048xf32, #tpu.memory_space<vmem>>, vector<16xf32>,
        tpu.vector_store %arg9[%parallel_loop3A_200, %parallel_loop3A_201], %parallel_loop3A_160 {strides = array<i32>} : memref<8x2048xf32, #tpu.memory_space<vmem>>, vector<16xf32>,
        %parallel_loop3A_203 = arith.constant 16 : i32
        %parallel_loop3A_204 = arith.muli %parallel_loop3A_138, %parallel_loop3A_203 : i32
        %parallel_loop3A_205 = arith.constant 6 : i32
        %parallel_loop3A_206 = arith.index_cast %parallel_loop3A_205 : i32 to index
        %parallel_loop3A_207 = arith.index_cast %parallel_loop3A_204 : i32 to index
        %parallel_loop3A_208 = tpu.vector_load %arg9[%parallel_loop3A_206, %parallel_loop3A_207] {strides = array<i32>} : memref<8x2048xf32, #tpu.memory_space<vmem>>, vector<16xf32>,
        tpu.vector_store %arg9[%parallel_loop3A_206, %parallel_loop3A_207], %parallel_loop3A_163 {strides = array<i32>} : memref<8x2048xf32, #tpu.memory_space<vmem>>, vector<16xf32>,
        %parallel_loop3A_209 = arith.constant 16 : i32
        %parallel_loop3A_210 = arith.muli %parallel_loop3A_138, %parallel_loop3A_209 : i32
        %parallel_loop3A_211 = arith.constant 7 : i32
        %parallel_loop3A_212 = arith.index_cast %parallel_loop3A_211 : i32 to index
        %parallel_loop3A_213 = arith.index_cast %parallel_loop3A_210 : i32 to index
        %parallel_loop3A_214 = tpu.vector_load %arg9[%parallel_loop3A_212, %parallel_loop3A_213] {strides = array<i32>} : memref<8x2048xf32, #tpu.memory_space<vmem>>, vector<16xf32>,
        tpu.vector_store %arg9[%parallel_loop3A_212, %parallel_loop3A_213], %parallel_loop3A_166 {strides = array<i32>} : memref<8x2048xf32, #tpu.memory_space<vmem>>, vector<16xf32>,
      } {sc.loop_unroll_factor = 4 : i64, sc.parallel_access}
      %mul3A_69 = arith.constant 8 : i32
      %mul3A_70 = arith.muli %add3A_60, %mul3A_69 : i32
      %add3A_71 = arith.addi %mul3A_2, %mul3A_70 : i32
      %dma_start3A_72 = arith.constant 0 : i32
      %dma_start3A_73 = tpu.memref_slice %arg4[%add3A_71, %dma_start3A_72] : memref<16384x2048xf32, #tpu.memory_space<hbm>> -> memref<8x2048xf32, #tpu.memory_space<hbm>>
      %dma_start3A_74 = arith.constant 0 : i32
      %dma_start3A_75 = tpu.memref_slice %arg4[%add3A_71, %dma_start3A_74] : memref<16384x2048xf32, #tpu.memory_space<hbm>> -> memref<8x2048xf32, #tpu.memory_space<hbm>>
      tpu.enqueue_dma source(%arg9 : memref<8x2048xf32, #tpu.memory_space<vmem>>) target(%dma_start3A_75 : memref<8x2048xf32, #tpu.memory_space<hbm>>) target_semaphore(%arg13 : memref<!tpu.dma_semaphore, #tpu.memory_space<semaphore_mem>>)
      %add3A_76 = arith.constant 2 : i32
      %add3A_77 = arith.addi %add3A_34, %add3A_76 : i32
      %lt3A = arith.constant 32 : i32
      %lt3A_78 = arith.cmpi slt, %add3A_77, %lt3A : i32
      %convert_element_type3A_79 = arith.extui %lt3A_78 : i1 to i32
      %cond3A_80 = arith.constant 0 : i32
      %cond3A_81 = arith.cmpi ne, %convert_element_type3A_79, %cond3A_80 : i32
      scf.if %cond3A_81 {
        %add3A_138 = arith.constant 2 : i32
        %add3A_139 = arith.addi %add3A_34, %add3A_138 : i32
        %mul3A_140 = arith.constant 16 : i32
        %mul3A_141 = arith.muli %add3A_139, %mul3A_140 : i32
        %add3A_142 = arith.addi %mul3A_2, %mul3A_141 : i32
        %dma_start3A_143 = arith.constant 0 : i32
        %dma_start3A_144 = tpu.memref_slice %arg2[%add3A_142, %dma_start3A_143] : memref<16384x2048xf32, #tpu.memory_space<hbm>> -> memref<16x2048xf32, #tpu.memory_space<hbm>>
        %dma_start3A_145 = arith.constant 0 : i32
        %dma_start3A_146 = tpu.memref_slice %arg2[%add3A_142, %dma_start3A_145] : memref<16384x2048xf32, #tpu.memory_space<hbm>> -> memref<16x2048xf32, #tpu.memory_space<hbm>>
        tpu.enqueue_dma source(%dma_start3A_146 : memref<16x2048xf32, #tpu.memory_space<hbm>>) target(%arg6 : memref<16x2048xf32, #tpu.memory_space<vmem>>) target_semaphore(%arg10 : memref<!tpu.dma_semaphore, #tpu.memory_space<semaphore_mem>>)
      } else {
      }
      %mul3A_82 = arith.constant 2 : i32
      %mul3A_83 = arith.muli %mul3A_82, %scan3A_30 : i32
      %add3A_84 = arith.constant 1 : i32
      %add3A_85 = arith.addi %mul3A_83, %add3A_84 : i32
      %mul3A_86 = arith.constant 16 : i32
      %mul3A_87 = arith.muli %add3A_85, %mul3A_86 : i32
      %add3A_88 = arith.addi %mul3A_2, %mul3A_87 : i32
      %dma_wait3A_89 = arith.constant 0 : i32
      %dma_wait3A_90 = tpu.memref_slice %arg2[%add3A_88, %dma_wait3A_89] : memref<16384x2048xf32, #tpu.memory_space<hbm>> -> memref<16x2048xf32, #tpu.memory_space<hbm>>
      %dma_wait3A_91 = arith.constant 0 : i32
      %dma_wait3A_92 = tpu.memref_slice %arg2[%add3A_88, %dma_wait3A_91] : memref<16384x2048xf32, #tpu.memory_space<hbm>> -> memref<16x2048xf32, #tpu.memory_space<hbm>>
      tpu.wait_dma2 semaphore(%arg11 : memref<!tpu.dma_semaphore, #tpu.memory_space<semaphore_mem>>) src(%dma_wait3A_92 : memref<16x2048xf32, #tpu.memory_space<hbm>>) dst(%arg7 : memref<16x2048xf32, #tpu.memory_space<vmem>>)
      %mul3A_93 = arith.constant 2 : i32
      %mul3A_94 = arith.muli %mul3A_93, %add3A_85 : i32
      %add3A_95 = arith.constant 0 : i32
      %add3A_96 = arith.addi %mul3A_94, %add3A_95 : i32
      %ge3A_97 = arith.constant 2 : i32
      %ge3A_98 = arith.cmpi sge, %add3A_96, %ge3A_97 : i32
      %convert_element_type3A_99 = arith.extui %ge3A_98 : i1 to i32
      %cond3A_100 = arith.constant 0 : i32
      %cond3A_101 = arith.cmpi ne, %convert_element_type3A_99, %cond3A_100 : i32
      scf.if %cond3A_101 {
        %sub3A = arith.constant 2 : i32
        %sub3A_138 = arith.subi %add3A_96, %sub3A : i32
        %mul3A_139 = arith.constant 8 : i32
        %mul3A_140 = arith.muli %sub3A_138, %mul3A_139 : i32
        %add3A_141 = arith.addi %mul3A_2, %mul3A_140 : i32
        %dma_wait3A_142 = arith.constant 0 : i32
        %dma_wait3A_143 = tpu.memref_slice %arg4[%add3A_141, %dma_wait3A_142] : memref<16384x2048xf32, #tpu.memory_space<hbm>> -> memref<8x2048xf32, #tpu.memory_space<hbm>>
        %dma_wait3A_144 = arith.constant 0 : i32
        %dma_wait3A_145 = tpu.memref_slice %arg4[%add3A_141, %dma_wait3A_144] : memref<16384x2048xf32, #tpu.memory_space<hbm>> -> memref<8x2048xf32, #tpu.memory_space<hbm>>
        tpu.wait_dma2 semaphore(%arg12 : memref<!tpu.dma_semaphore, #tpu.memory_space<semaphore_mem>>) src(%arg8 : memref<8x2048xf32, #tpu.memory_space<vmem>>) dst(%dma_wait3A_145 : memref<8x2048xf32, #tpu.memory_space<hbm>>)
      } else {
      }
      %parallel_loop3A_102 = arith.constant 0 : i32
      %parallel_loop3A_103 = arith.constant 128 : i32
      %parallel_loop3A_104 = arith.constant 1 : i32
      scf.for %parallel_loop3A_138 = %parallel_loop3A_102 to %parallel_loop3A_103 step %parallel_loop3A_104  : i32 {
        %parallel_loop3A_139 = arith.constant 16 : i32
        %parallel_loop3A_140 = arith.muli %parallel_loop3A_138, %parallel_loop3A_139 : i32
        %parallel_loop3A_141 = arith.index_cast %parallel_loop3A_140 : i32 to index
        %parallel_loop3A_142 = tpu.vector_load %arg5[%parallel_loop3A_141] {strides = array<i32>} : memref<2048xi32, #tpu.memory_space<vmem>>, vector<16xi32>,
        %parallel_loop3A_143 = arith.constant 0 : i32
        %parallel_loop3A_144 = vector.broadcast %parallel_loop3A_143 : i32 to vector<16xi32>
        %parallel_loop3A_145 = tpu.vector_load_idx %arg7[%parallel_loop3A_144, %parallel_loop3A_142] : memref<16x2048xf32, #tpu.memory_space<vmem>>[vector<16xi32>, vector<16xi32>], vector<16xf32>,
        %parallel_loop3A_146 = arith.constant 1 : i32
        %parallel_loop3A_147 = vector.broadcast %parallel_loop3A_146 : i32 to vector<16xi32>
        %parallel_loop3A_148 = tpu.vector_load_idx %arg7[%parallel_loop3A_147, %parallel_loop3A_142] : memref<16x2048xf32, #tpu.memory_space<vmem>>[vector<16xi32>, vector<16xi32>], vector<16xf32>,
        %parallel_loop3A_149 = arith.constant 2 : i32
        %parallel_loop3A_150 = vector.broadcast %parallel_loop3A_149 : i32 to vector<16xi32>
        %parallel_loop3A_151 = tpu.vector_load_idx %arg7[%parallel_loop3A_150, %parallel_loop3A_142] : memref<16x2048xf32, #tpu.memory_space<vmem>>[vector<16xi32>, vector<16xi32>], vector<16xf32>,
        %parallel_loop3A_152 = arith.constant 3 : i32
        %parallel_loop3A_153 = vector.broadcast %parallel_loop3A_152 : i32 to vector<16xi32>
        %parallel_loop3A_154 = tpu.vector_load_idx %arg7[%parallel_loop3A_153, %parallel_loop3A_142] : memref<16x2048xf32, #tpu.memory_space<vmem>>[vector<16xi32>, vector<16xi32>], vector<16xf32>,
        %parallel_loop3A_155 = arith.constant 4 : i32
        %parallel_loop3A_156 = vector.broadcast %parallel_loop3A_155 : i32 to vector<16xi32>
        %parallel_loop3A_157 = tpu.vector_load_idx %arg7[%parallel_loop3A_156, %parallel_loop3A_142] : memref<16x2048xf32, #tpu.memory_space<vmem>>[vector<16xi32>, vector<16xi32>], vector<16xf32>,
        %parallel_loop3A_158 = arith.constant 5 : i32
        %parallel_loop3A_159 = vector.broadcast %parallel_loop3A_158 : i32 to vector<16xi32>
        %parallel_loop3A_160 = tpu.vector_load_idx %arg7[%parallel_loop3A_159, %parallel_loop3A_142] : memref<16x2048xf32, #tpu.memory_space<vmem>>[vector<16xi32>, vector<16xi32>], vector<16xf32>,
        %parallel_loop3A_161 = arith.constant 6 : i32
        %parallel_loop3A_162 = vector.broadcast %parallel_loop3A_161 : i32 to vector<16xi32>
        %parallel_loop3A_163 = tpu.vector_load_idx %arg7[%parallel_loop3A_162, %parallel_loop3A_142] : memref<16x2048xf32, #tpu.memory_space<vmem>>[vector<16xi32>, vector<16xi32>], vector<16xf32>,
        %parallel_loop3A_164 = arith.constant 7 : i32
        %parallel_loop3A_165 = vector.broadcast %parallel_loop3A_164 : i32 to vector<16xi32>
        %parallel_loop3A_166 = tpu.vector_load_idx %arg7[%parallel_loop3A_165, %parallel_loop3A_142] : memref<16x2048xf32, #tpu.memory_space<vmem>>[vector<16xi32>, vector<16xi32>], vector<16xf32>,
        %parallel_loop3A_167 = arith.constant 16 : i32
        %parallel_loop3A_168 = arith.muli %parallel_loop3A_138, %parallel_loop3A_167 : i32
        %parallel_loop3A_169 = arith.constant 0 : i32
        %parallel_loop3A_170 = arith.index_cast %parallel_loop3A_169 : i32 to index
        %parallel_loop3A_171 = arith.index_cast %parallel_loop3A_168 : i32 to index
        %parallel_loop3A_172 = tpu.vector_load %arg8[%parallel_loop3A_170, %parallel_loop3A_171] {strides = array<i32>} : memref<8x2048xf32, #tpu.memory_space<vmem>>, vector<16xf32>,
        tpu.vector_store %arg8[%parallel_loop3A_170, %parallel_loop3A_171], %parallel_loop3A_145 {strides = array<i32>} : memref<8x2048xf32, #tpu.memory_space<vmem>>, vector<16xf32>,
        %parallel_loop3A_173 = arith.constant 16 : i32
        %parallel_loop3A_174 = arith.muli %parallel_loop3A_138, %parallel_loop3A_173 : i32
        %parallel_loop3A_175 = arith.constant 1 : i32
        %parallel_loop3A_176 = arith.index_cast %parallel_loop3A_175 : i32 to index
        %parallel_loop3A_177 = arith.index_cast %parallel_loop3A_174 : i32 to index
        %parallel_loop3A_178 = tpu.vector_load %arg8[%parallel_loop3A_176, %parallel_loop3A_177] {strides = array<i32>} : memref<8x2048xf32, #tpu.memory_space<vmem>>, vector<16xf32>,
        tpu.vector_store %arg8[%parallel_loop3A_176, %parallel_loop3A_177], %parallel_loop3A_148 {strides = array<i32>} : memref<8x2048xf32, #tpu.memory_space<vmem>>, vector<16xf32>,
        %parallel_loop3A_179 = arith.constant 16 : i32
        %parallel_loop3A_180 = arith.muli %parallel_loop3A_138, %parallel_loop3A_179 : i32
        %parallel_loop3A_181 = arith.constant 2 : i32
        %parallel_loop3A_182 = arith.index_cast %parallel_loop3A_181 : i32 to index
        %parallel_loop3A_183 = arith.index_cast %parallel_loop3A_180 : i32 to index
        %parallel_loop3A_184 = tpu.vector_load %arg8[%parallel_loop3A_182, %parallel_loop3A_183] {strides = array<i32>} : memref<8x2048xf32, #tpu.memory_space<vmem>>, vector<16xf32>,
        tpu.vector_store %arg8[%parallel_loop3A_182, %parallel_loop3A_183], %parallel_loop3A_151 {strides = array<i32>} : memref<8x2048xf32, #tpu.memory_space<vmem>>, vector<16xf32>,
        %parallel_loop3A_185 = arith.constant 16 : i32
        %parallel_loop3A_186 = arith.muli %parallel_loop3A_138, %parallel_loop3A_185 : i32
        %parallel_loop3A_187 = arith.constant 3 : i32
        %parallel_loop3A_188 = arith.index_cast %parallel_loop3A_187 : i32 to index
        %parallel_loop3A_189 = arith.index_cast %parallel_loop3A_186 : i32 to index
        %parallel_loop3A_190 = tpu.vector_load %arg8[%parallel_loop3A_188, %parallel_loop3A_189] {strides = array<i32>} : memref<8x2048xf32, #tpu.memory_space<vmem>>, vector<16xf32>,
        tpu.vector_store %arg8[%parallel_loop3A_188, %parallel_loop3A_189], %parallel_loop3A_154 {strides = array<i32>} : memref<8x2048xf32, #tpu.memory_space<vmem>>, vector<16xf32>,
        %parallel_loop3A_191 = arith.constant 16 : i32
        %parallel_loop3A_192 = arith.muli %parallel_loop3A_138, %parallel_loop3A_191 : i32
        %parallel_loop3A_193 = arith.constant 4 : i32
        %parallel_loop3A_194 = arith.index_cast %parallel_loop3A_193 : i32 to index
        %parallel_loop3A_195 = arith.index_cast %parallel_loop3A_192 : i32 to index
        %parallel_loop3A_196 = tpu.vector_load %arg8[%parallel_loop3A_194, %parallel_loop3A_195] {strides = array<i32>} : memref<8x2048xf32, #tpu.memory_space<vmem>>, vector<16xf32>,
        tpu.vector_store %arg8[%parallel_loop3A_194, %parallel_loop3A_195], %parallel_loop3A_157 {strides = array<i32>} : memref<8x2048xf32, #tpu.memory_space<vmem>>, vector<16xf32>,
        %parallel_loop3A_197 = arith.constant 16 : i32
        %parallel_loop3A_198 = arith.muli %parallel_loop3A_138, %parallel_loop3A_197 : i32
        %parallel_loop3A_199 = arith.constant 5 : i32
        %parallel_loop3A_200 = arith.index_cast %parallel_loop3A_199 : i32 to index
        %parallel_loop3A_201 = arith.index_cast %parallel_loop3A_198 : i32 to index
        %parallel_loop3A_202 = tpu.vector_load %arg8[%parallel_loop3A_200, %parallel_loop3A_201] {strides = array<i32>} : memref<8x2048xf32, #tpu.memory_space<vmem>>, vector<16xf32>,
        tpu.vector_store %arg8[%parallel_loop3A_200, %parallel_loop3A_201], %parallel_loop3A_160 {strides = array<i32>} : memref<8x2048xf32, #tpu.memory_space<vmem>>, vector<16xf32>,
        %parallel_loop3A_203 = arith.constant 16 : i32
        %parallel_loop3A_204 = arith.muli %parallel_loop3A_138, %parallel_loop3A_203 : i32
        %parallel_loop3A_205 = arith.constant 6 : i32
        %parallel_loop3A_206 = arith.index_cast %parallel_loop3A_205 : i32 to index
        %parallel_loop3A_207 = arith.index_cast %parallel_loop3A_204 : i32 to index
        %parallel_loop3A_208 = tpu.vector_load %arg8[%parallel_loop3A_206, %parallel_loop3A_207] {strides = array<i32>} : memref<8x2048xf32, #tpu.memory_space<vmem>>, vector<16xf32>,
        tpu.vector_store %arg8[%parallel_loop3A_206, %parallel_loop3A_207], %parallel_loop3A_163 {strides = array<i32>} : memref<8x2048xf32, #tpu.memory_space<vmem>>, vector<16xf32>,
        %parallel_loop3A_209 = arith.constant 16 : i32
        %parallel_loop3A_210 = arith.muli %parallel_loop3A_138, %parallel_loop3A_209 : i32
        %parallel_loop3A_211 = arith.constant 7 : i32
        %parallel_loop3A_212 = arith.index_cast %parallel_loop3A_211 : i32 to index
        %parallel_loop3A_213 = arith.index_cast %parallel_loop3A_210 : i32 to index
        %parallel_loop3A_214 = tpu.vector_load %arg8[%parallel_loop3A_212, %parallel_loop3A_213] {strides = array<i32>} : memref<8x2048xf32, #tpu.memory_space<vmem>>, vector<16xf32>,
        tpu.vector_store %arg8[%parallel_loop3A_212, %parallel_loop3A_213], %parallel_loop3A_166 {strides = array<i32>} : memref<8x2048xf32, #tpu.memory_space<vmem>>, vector<16xf32>,
      } {sc.loop_unroll_factor = 4 : i64, sc.parallel_access}
      %mul3A_105 = arith.constant 8 : i32
      %mul3A_106 = arith.muli %add3A_96, %mul3A_105 : i32
      %add3A_107 = arith.addi %mul3A_2, %mul3A_106 : i32
      %dma_start3A_108 = arith.constant 0 : i32
      %dma_start3A_109 = tpu.memref_slice %arg4[%add3A_107, %dma_start3A_108] : memref<16384x2048xf32, #tpu.memory_space<hbm>> -> memref<8x2048xf32, #tpu.memory_space<hbm>>
      %dma_start3A_110 = arith.constant 0 : i32
      %dma_start3A_111 = tpu.memref_slice %arg4[%add3A_107, %dma_start3A_110] : memref<16384x2048xf32, #tpu.memory_space<hbm>> -> memref<8x2048xf32, #tpu.memory_space<hbm>>
      tpu.enqueue_dma source(%arg8 : memref<8x2048xf32, #tpu.memory_space<vmem>>) target(%dma_start3A_111 : memref<8x2048xf32, #tpu.memory_space<hbm>>) target_semaphore(%arg12 : memref<!tpu.dma_semaphore, #tpu.memory_space<semaphore_mem>>)
      %mul3A_112 = arith.constant 2 : i32
      %mul3A_113 = arith.muli %mul3A_112, %add3A_85 : i32
      %add3A_114 = arith.constant 1 : i32
      %add3A_115 = arith.addi %mul3A_113, %add3A_114 : i32
      %ge3A_116 = arith.constant 2 : i32
      %ge3A_117 = arith.cmpi sge, %add3A_115, %ge3A_116 : i32
      %convert_element_type3A_118 = arith.extui %ge3A_117 : i1 to i32
      %cond3A_119 = arith.constant 0 : i32
      %cond3A_120 = arith.cmpi ne, %convert_element_type3A_118, %cond3A_119 : i32
      scf.if %cond3A_120 {
        %sub3A = arith.constant 2 : i32
        %sub3A_138 = arith.subi %add3A_115, %sub3A : i32
        %mul3A_139 = arith.constant 8 : i32
        %mul3A_140 = arith.muli %sub3A_138, %mul3A_139 : i32
        %add3A_141 = arith.addi %mul3A_2, %mul3A_140 : i32
        %dma_wait3A_142 = arith.constant 0 : i32
        %dma_wait3A_143 = tpu.memref_slice %arg4[%add3A_141, %dma_wait3A_142] : memref<16384x2048xf32, #tpu.memory_space<hbm>> -> memref<8x2048xf32, #tpu.memory_space<hbm>>
        %dma_wait3A_144 = arith.constant 0 : i32
        %dma_wait3A_145 = tpu.memref_slice %arg4[%add3A_141, %dma_wait3A_144] : memref<16384x2048xf32, #tpu.memory_space<hbm>> -> memref<8x2048xf32, #tpu.memory_space<hbm>>
        tpu.wait_dma2 semaphore(%arg13 : memref<!tpu.dma_semaphore, #tpu.memory_space<semaphore_mem>>) src(%arg9 : memref<8x2048xf32, #tpu.memory_space<vmem>>) dst(%dma_wait3A_145 : memref<8x2048xf32, #tpu.memory_space<hbm>>)
      } else {
      }
      %parallel_loop3A_121 = arith.constant 0 : i32
      %parallel_loop3A_122 = arith.constant 128 : i32
      %parallel_loop3A_123 = arith.constant 1 : i32
      scf.for %parallel_loop3A_138 = %parallel_loop3A_121 to %parallel_loop3A_122 step %parallel_loop3A_123  : i32 {
        %parallel_loop3A_139 = arith.constant 16 : i32
        %parallel_loop3A_140 = arith.muli %parallel_loop3A_138, %parallel_loop3A_139 : i32
        %parallel_loop3A_141 = arith.index_cast %parallel_loop3A_140 : i32 to index
        %parallel_loop3A_142 = tpu.vector_load %arg5[%parallel_loop3A_141] {strides = array<i32>} : memref<2048xi32, #tpu.memory_space<vmem>>, vector<16xi32>,
        %parallel_loop3A_143 = arith.constant 8 : i32
        %parallel_loop3A_144 = vector.broadcast %parallel_loop3A_143 : i32 to vector<16xi32>
        %parallel_loop3A_145 = tpu.vector_load_idx %arg7[%parallel_loop3A_144, %parallel_loop3A_142] : memref<16x2048xf32, #tpu.memory_space<vmem>>[vector<16xi32>, vector<16xi32>], vector<16xf32>,
        %parallel_loop3A_146 = arith.constant 9 : i32
        %parallel_loop3A_147 = vector.broadcast %parallel_loop3A_146 : i32 to vector<16xi32>
        %parallel_loop3A_148 = tpu.vector_load_idx %arg7[%parallel_loop3A_147, %parallel_loop3A_142] : memref<16x2048xf32, #tpu.memory_space<vmem>>[vector<16xi32>, vector<16xi32>], vector<16xf32>,
        %parallel_loop3A_149 = arith.constant 10 : i32
        %parallel_loop3A_150 = vector.broadcast %parallel_loop3A_149 : i32 to vector<16xi32>
        %parallel_loop3A_151 = tpu.vector_load_idx %arg7[%parallel_loop3A_150, %parallel_loop3A_142] : memref<16x2048xf32, #tpu.memory_space<vmem>>[vector<16xi32>, vector<16xi32>], vector<16xf32>,
        %parallel_loop3A_152 = arith.constant 11 : i32
        %parallel_loop3A_153 = vector.broadcast %parallel_loop3A_152 : i32 to vector<16xi32>
        %parallel_loop3A_154 = tpu.vector_load_idx %arg7[%parallel_loop3A_153, %parallel_loop3A_142] : memref<16x2048xf32, #tpu.memory_space<vmem>>[vector<16xi32>, vector<16xi32>], vector<16xf32>,
        %parallel_loop3A_155 = arith.constant 12 : i32
        %parallel_loop3A_156 = vector.broadcast %parallel_loop3A_155 : i32 to vector<16xi32>
        %parallel_loop3A_157 = tpu.vector_load_idx %arg7[%parallel_loop3A_156, %parallel_loop3A_142] : memref<16x2048xf32, #tpu.memory_space<vmem>>[vector<16xi32>, vector<16xi32>], vector<16xf32>,
        %parallel_loop3A_158 = arith.constant 13 : i32
        %parallel_loop3A_159 = vector.broadcast %parallel_loop3A_158 : i32 to vector<16xi32>
        %parallel_loop3A_160 = tpu.vector_load_idx %arg7[%parallel_loop3A_159, %parallel_loop3A_142] : memref<16x2048xf32, #tpu.memory_space<vmem>>[vector<16xi32>, vector<16xi32>], vector<16xf32>,
        %parallel_loop3A_161 = arith.constant 14 : i32
        %parallel_loop3A_162 = vector.broadcast %parallel_loop3A_161 : i32 to vector<16xi32>
        %parallel_loop3A_163 = tpu.vector_load_idx %arg7[%parallel_loop3A_162, %parallel_loop3A_142] : memref<16x2048xf32, #tpu.memory_space<vmem>>[vector<16xi32>, vector<16xi32>], vector<16xf32>,
        %parallel_loop3A_164 = arith.constant 15 : i32
        %parallel_loop3A_165 = vector.broadcast %parallel_loop3A_164 : i32 to vector<16xi32>
        %parallel_loop3A_166 = tpu.vector_load_idx %arg7[%parallel_loop3A_165, %parallel_loop3A_142] : memref<16x2048xf32, #tpu.memory_space<vmem>>[vector<16xi32>, vector<16xi32>], vector<16xf32>,
        %parallel_loop3A_167 = arith.constant 16 : i32
        %parallel_loop3A_168 = arith.muli %parallel_loop3A_138, %parallel_loop3A_167 : i32
        %parallel_loop3A_169 = arith.constant 0 : i32
        %parallel_loop3A_170 = arith.index_cast %parallel_loop3A_169 : i32 to index
        %parallel_loop3A_171 = arith.index_cast %parallel_loop3A_168 : i32 to index
        %parallel_loop3A_172 = tpu.vector_load %arg9[%parallel_loop3A_170, %parallel_loop3A_171] {strides = array<i32>} : memref<8x2048xf32, #tpu.memory_space<vmem>>, vector<16xf32>,
        tpu.vector_store %arg9[%parallel_loop3A_170, %parallel_loop3A_171], %parallel_loop3A_145 {strides = array<i32>} : memref<8x2048xf32, #tpu.memory_space<vmem>>, vector<16xf32>,
        %parallel_loop3A_173 = arith.constant 16 : i32
        %parallel_loop3A_174 = arith.muli %parallel_loop3A_138, %parallel_loop3A_173 : i32
        %parallel_loop3A_175 = arith.constant 1 : i32
        %parallel_loop3A_176 = arith.index_cast %parallel_loop3A_175 : i32 to index
        %parallel_loop3A_177 = arith.index_cast %parallel_loop3A_174 : i32 to index
        %parallel_loop3A_178 = tpu.vector_load %arg9[%parallel_loop3A_176, %parallel_loop3A_177] {strides = array<i32>} : memref<8x2048xf32, #tpu.memory_space<vmem>>, vector<16xf32>,
        tpu.vector_store %arg9[%parallel_loop3A_176, %parallel_loop3A_177], %parallel_loop3A_148 {strides = array<i32>} : memref<8x2048xf32, #tpu.memory_space<vmem>>, vector<16xf32>,
        %parallel_loop3A_179 = arith.constant 16 : i32
        %parallel_loop3A_180 = arith.muli %parallel_loop3A_138, %parallel_loop3A_179 : i32
        %parallel_loop3A_181 = arith.constant 2 : i32
        %parallel_loop3A_182 = arith.index_cast %parallel_loop3A_181 : i32 to index
        %parallel_loop3A_183 = arith.index_cast %parallel_loop3A_180 : i32 to index
        %parallel_loop3A_184 = tpu.vector_load %arg9[%parallel_loop3A_182, %parallel_loop3A_183] {strides = array<i32>} : memref<8x2048xf32, #tpu.memory_space<vmem>>, vector<16xf32>,
        tpu.vector_store %arg9[%parallel_loop3A_182, %parallel_loop3A_183], %parallel_loop3A_151 {strides = array<i32>} : memref<8x2048xf32, #tpu.memory_space<vmem>>, vector<16xf32>,
        %parallel_loop3A_185 = arith.constant 16 : i32
        %parallel_loop3A_186 = arith.muli %parallel_loop3A_138, %parallel_loop3A_185 : i32
        %parallel_loop3A_187 = arith.constant 3 : i32
        %parallel_loop3A_188 = arith.index_cast %parallel_loop3A_187 : i32 to index
        %parallel_loop3A_189 = arith.index_cast %parallel_loop3A_186 : i32 to index
        %parallel_loop3A_190 = tpu.vector_load %arg9[%parallel_loop3A_188, %parallel_loop3A_189] {strides = array<i32>} : memref<8x2048xf32, #tpu.memory_space<vmem>>, vector<16xf32>,
        tpu.vector_store %arg9[%parallel_loop3A_188, %parallel_loop3A_189], %parallel_loop3A_154 {strides = array<i32>} : memref<8x2048xf32, #tpu.memory_space<vmem>>, vector<16xf32>,
        %parallel_loop3A_191 = arith.constant 16 : i32
        %parallel_loop3A_192 = arith.muli %parallel_loop3A_138, %parallel_loop3A_191 : i32
        %parallel_loop3A_193 = arith.constant 4 : i32
        %parallel_loop3A_194 = arith.index_cast %parallel_loop3A_193 : i32 to index
        %parallel_loop3A_195 = arith.index_cast %parallel_loop3A_192 : i32 to index
        %parallel_loop3A_196 = tpu.vector_load %arg9[%parallel_loop3A_194, %parallel_loop3A_195] {strides = array<i32>} : memref<8x2048xf32, #tpu.memory_space<vmem>>, vector<16xf32>,
        tpu.vector_store %arg9[%parallel_loop3A_194, %parallel_loop3A_195], %parallel_loop3A_157 {strides = array<i32>} : memref<8x2048xf32, #tpu.memory_space<vmem>>, vector<16xf32>,
        %parallel_loop3A_197 = arith.constant 16 : i32
        %parallel_loop3A_198 = arith.muli %parallel_loop3A_138, %parallel_loop3A_197 : i32
        %parallel_loop3A_199 = arith.constant 5 : i32
        %parallel_loop3A_200 = arith.index_cast %parallel_loop3A_199 : i32 to index
        %parallel_loop3A_201 = arith.index_cast %parallel_loop3A_198 : i32 to index
        %parallel_loop3A_202 = tpu.vector_load %arg9[%parallel_loop3A_200, %parallel_loop3A_201] {strides = array<i32>} : memref<8x2048xf32, #tpu.memory_space<vmem>>, vector<16xf32>,
        tpu.vector_store %arg9[%parallel_loop3A_200, %parallel_loop3A_201], %parallel_loop3A_160 {strides = array<i32>} : memref<8x2048xf32, #tpu.memory_space<vmem>>, vector<16xf32>,
        %parallel_loop3A_203 = arith.constant 16 : i32
        %parallel_loop3A_204 = arith.muli %parallel_loop3A_138, %parallel_loop3A_203 : i32
        %parallel_loop3A_205 = arith.constant 6 : i32
        %parallel_loop3A_206 = arith.index_cast %parallel_loop3A_205 : i32 to index
        %parallel_loop3A_207 = arith.index_cast %parallel_loop3A_204 : i32 to index
        %parallel_loop3A_208 = tpu.vector_load %arg9[%parallel_loop3A_206, %parallel_loop3A_207] {strides = array<i32>} : memref<8x2048xf32, #tpu.memory_space<vmem>>, vector<16xf32>,
        tpu.vector_store %arg9[%parallel_loop3A_206, %parallel_loop3A_207], %parallel_loop3A_163 {strides = array<i32>} : memref<8x2048xf32, #tpu.memory_space<vmem>>, vector<16xf32>,
        %parallel_loop3A_209 = arith.constant 16 : i32
        %parallel_loop3A_210 = arith.muli %parallel_loop3A_138, %parallel_loop3A_209 : i32
        %parallel_loop3A_211 = arith.constant 7 : i32
        %parallel_loop3A_212 = arith.index_cast %parallel_loop3A_211 : i32 to index
        %parallel_loop3A_213 = arith.index_cast %parallel_loop3A_210 : i32 to index
        %parallel_loop3A_214 = tpu.vector_load %arg9[%parallel_loop3A_212, %parallel_loop3A_213] {strides = array<i32>} : memref<8x2048xf32, #tpu.memory_space<vmem>>, vector<16xf32>,
        tpu.vector_store %arg9[%parallel_loop3A_212, %parallel_loop3A_213], %parallel_loop3A_166 {strides = array<i32>} : memref<8x2048xf32, #tpu.memory_space<vmem>>, vector<16xf32>,
      } {sc.loop_unroll_factor = 4 : i64, sc.parallel_access}
      %mul3A_124 = arith.constant 8 : i32
      %mul3A_125 = arith.muli %add3A_115, %mul3A_124 : i32
      %add3A_126 = arith.addi %mul3A_2, %mul3A_125 : i32
      %dma_start3A_127 = arith.constant 0 : i32
      %dma_start3A_128 = tpu.memref_slice %arg4[%add3A_126, %dma_start3A_127] : memref<16384x2048xf32, #tpu.memory_space<hbm>> -> memref<8x2048xf32, #tpu.memory_space<hbm>>
      %dma_start3A_129 = arith.constant 0 : i32
      %dma_start3A_130 = tpu.memref_slice %arg4[%add3A_126, %dma_start3A_129] : memref<16384x2048xf32, #tpu.memory_space<hbm>> -> memref<8x2048xf32, #tpu.memory_space<hbm>>
      tpu.enqueue_dma source(%arg9 : memref<8x2048xf32, #tpu.memory_space<vmem>>) target(%dma_start3A_130 : memref<8x2048xf32, #tpu.memory_space<hbm>>) target_semaphore(%arg13 : memref<!tpu.dma_semaphore, #tpu.memory_space<semaphore_mem>>)
      %add3A_131 = arith.constant 2 : i32
      %add3A_132 = arith.addi %add3A_85, %add3A_131 : i32
      %lt3A_133 = arith.constant 32 : i32
      %lt3A_134 = arith.cmpi slt, %add3A_132, %lt3A_133 : i32
      %convert_element_type3A_135 = arith.extui %lt3A_134 : i1 to i32
      %cond3A_136 = arith.constant 0 : i32
      %cond3A_137 = arith.cmpi ne, %convert_element_type3A_135, %cond3A_136 : i32
      scf.if %cond3A_137 {
        %add3A_138 = arith.constant 2 : i32
        %add3A_139 = arith.addi %add3A_85, %add3A_138 : i32
        %mul3A_140 = arith.constant 16 : i32
        %mul3A_141 = arith.muli %add3A_139, %mul3A_140 : i32
        %add3A_142 = arith.addi %mul3A_2, %mul3A_141 : i32
        %dma_start3A_143 = arith.constant 0 : i32
        %dma_start3A_144 = tpu.memref_slice %arg2[%add3A_142, %dma_start3A_143] : memref<16384x2048xf32, #tpu.memory_space<hbm>> -> memref<16x2048xf32, #tpu.memory_space<hbm>>
        %dma_start3A_145 = arith.constant 0 : i32
        %dma_start3A_146 = tpu.memref_slice %arg2[%add3A_142, %dma_start3A_145] : memref<16384x2048xf32, #tpu.memory_space<hbm>> -> memref<16x2048xf32, #tpu.memory_space<hbm>>
        tpu.enqueue_dma source(%dma_start3A_146 : memref<16x2048xf32, #tpu.memory_space<hbm>>) target(%arg7 : memref<16x2048xf32, #tpu.memory_space<vmem>>) target_semaphore(%arg11 : memref<!tpu.dma_semaphore, #tpu.memory_space<semaphore_mem>>)
      } else {
      }
    }
    %scan3A_18 = arith.constant 16 : i32
    %add3A_19 = arith.constant 496 : i32
    %add3A_20 = arith.addi %mul3A_2, %add3A_19 : i32
    %dma_wait3A = arith.constant 0 : i32
    %dma_wait3A_21 = tpu.memref_slice %arg4[%add3A_20, %dma_wait3A] : memref<16384x2048xf32, #tpu.memory_space<hbm>> -> memref<8x2048xf32, #tpu.memory_space<hbm>>
    %dma_wait3A_22 = arith.constant 0 : i32
    %dma_wait3A_23 = tpu.memref_slice %arg4[%add3A_20, %dma_wait3A_22] : memref<16384x2048xf32, #tpu.memory_space<hbm>> -> memref<8x2048xf32, #tpu.memory_space<hbm>>
    tpu.wait_dma2 semaphore(%arg12 : memref<!tpu.dma_semaphore, #tpu.memory_space<semaphore_mem>>) src(%arg8 : memref<8x2048xf32, #tpu.memory_space<vmem>>) dst(%dma_wait3A_23 : memref<8x2048xf32, #tpu.memory_space<hbm>>)
    %add3A_24 = arith.constant 504 : i32
    %add3A_25 = arith.addi %mul3A_2, %add3A_24 : i32
    %dma_wait3A_26 = arith.constant 0 : i32
    %dma_wait3A_27 = tpu.memref_slice %arg4[%add3A_25, %dma_wait3A_26] : memref<16384x2048xf32, #tpu.memory_space<hbm>> -> memref<8x2048xf32, #tpu.memory_space<hbm>>
    %dma_wait3A_28 = arith.constant 0 : i32
    %dma_wait3A_29 = tpu.memref_slice %arg4[%add3A_25, %dma_wait3A_28] : memref<16384x2048xf32, #tpu.memory_space<hbm>> -> memref<8x2048xf32, #tpu.memory_space<hbm>>
    tpu.wait_dma2 semaphore(%arg13 : memref<!tpu.dma_semaphore, #tpu.memory_space<semaphore_mem>>) src(%arg9 : memref<8x2048xf32, #tpu.memory_space<vmem>>) dst(%dma_wait3A_29 : memref<8x2048xf32, #tpu.memory_space<hbm>>)
    return
  }
}

</mosaic_0001>

<sc_bundles>
// kernel: kernel.3.cloned.1.call-start
scs
__scs_entry_jumppad:
0x0: {  	(pc) =	sbr.rel $0x88, $3  }
0x1: {  	(tag) =	ssettag $0x0;
	lr =	simm.s32 $0x1  }
0x2: {  	[smem:$0x3F9F] =	sst lr;
	_ =	strace $0xD0000000  }
0x3: {  	_ = 	snop  }
0x4: {  	_ = 	snop  }
0x5: {  	_ = 	snop  }
0x6: {  	_ = 	snop  }
0x7: {  	_ = 	snop  }
__scs_overlays_trampoline_lowered:
0x8: {  	[smem:$0x3FAE] =	sst s0  }
0x9: {  	[smem:$0x3FAF] =	sst s1  }
0xa: {  	[smem:$0x3FB0] =	sst s2  }
0xb: {  	[smem:$0x3FB1] =	sst s3  }
0xc: {  	[smem:$0x3FB2] =	sst s4  }
0xd: {  	[smem:$0x3FB3] =	sst s5  }
0xe: {  	[smem:$0x3FB4] =	sst s6  }
0xf: {  	[smem:$0x3FB5] =	sst s7  }
0x10: {  	[smem:$0x3FB6] =	sst s8  }
0x11: {  	[smem:$0x3FB7] =	sst s9;
	s0 =	simm.s32 @!p0 $0x0  }
0x12: {  	s1 =	sld [smem:$0x3F9D];
	s0 =	simm.s32 @p0 $0x1  }
0x13: {  	[smem:$0x3FB8] =	sst s0;
	s0 =	simm.s32 @!p1 $0x0  }
0x14: {  	s2 =	sld [smem:$0x3F9C];
	s0 =	simm.s32 @p1 $0x1  }
0x15: {  	[smem:$0x3FB9] =	sst s0;
	s0 =	simm.s32 @!p2 $0x0  }
0x16: {  	s3 =	sld [smem:$0x3FDB];
	s0 =	simm.s32 @p2 $0x1  }
0x17: {  	s4 =	simm.s32 $0x1BF5;
	[smem:$0x3FBB] =	sst s0  }
0x18: {  	s0 =	sld [smem:$0x3F9E];
	_ =	swait.ge [sflag:s4], $0x0  }
0x19: {  	s7 =	sld [smem:$0x3F9F]  }
0x1a: {  	s8 =	sadd.s32 $0xFFFFE003, lr  }
0x1b: {  	s9 =	sadd.s32 $0xFFFFFEF7, lr;
	s5 =	simm.s32 $0xFFFFFFFF;
	p2 =	slt.u32 s8, $0xFFFFF086  }
0x1c: {  	p1 =	slt.u32 s9, $0xF7A;
	s5 =	simm.s32 @!p2 $0x0  }
0x1d: {  	s5 =	simm.s32 @p1 $0x1;
	p0 =	seq.s32 s7, s2  }
0x1e: {  	s7 =	smul.u32 @!p0 $0xF7A, s2;
	p2 =	seq.s32 @!p0 s5, $0x0  }
0x1f: {  	s9 =	smul.u32 $0xF7A, s1;
	s8 =	simm.s32 @!p0 $0x1BF5;
	p2 =	por !p2, p0  }
0x20: {  	[sflag:s8] =	ssyncset.s32 @!p0 $0xFFFFF086;
	s6 =	sadd.s32 @!p0 s3, s7;
	s7 =	simm.s32 @!p0 $0x108  }
0x21: {  	s3 =	sadd.s32 s3, s9;
	s6 =	sadd.s32 @!p0 $0x88, s6;
	s7 =	simm.s32 @p2 $0x1082  }
0x22: {  	[simem:s7], [sflag:s8] =	dma.local @!p0 [hbm:s6], $0xF7A  }
0x23: {  	s9 =	sor.u32 $0xD0000000, s2;
	s6 =	simm.s32 $0x108;
	_ =	swait.ge @!p0 [sflag:s8], $0x0  }
0x24: {  	s3 =	sadd.s32 $0x88, s3;
	s6 =	simm.s32 @!p1 $0x1082;
	[sflag:s4] =	ssyncset.s32 $0xFFFFF086  }
0x25: {  	[simem:s6], [sflag:s4] =	dma.local [hbm:s3], $0xF7A  }
0x26: {  	[smem:$0x3F9F] =	sst s1;
	(tag) =	ssettag s2;
	_ =	strace s9  }
0x27: {  	s1 =	sld [smem:$0x3FAF]  }
0x28: {  	s2 =	sld [smem:$0x3FB0]  }
0x29: {  	s4 =	sld [smem:$0x3FB2]  }
0x2a: {  	p0 =	seq.s32 s5, $0x0;
	s5 =	sld [smem:$0x3FB3]  }
0x2b: {  	s6 =	sld [smem:$0x3FB4]  }
0x2c: {  	s7 =	sld [smem:$0x3FB5]  }
0x2d: {  	s3 =	simm.s32 $0x108;
	s8 =	sld [smem:$0x3FB6]  }
0x2e: {  	s3 =	simm.s32 @!p0 $0x1082;
	s9 =	sld [smem:$0x3FB7]  }
0x2f: {  	lr =	sadd.s32 s0, s3;
	s0 =	sld [smem:$0x3FAE]  }
0x30: {  	s3 =	sld [smem:$0x3FB1]  }
0x31: {  	[smem:$0x3FBA] =	sst s10  }
0x32: {  	s10 =	sld [smem:$0x3FB8];
	_ =	sdelay $0x3  }
0x33: {  	p0 =	seq.s32 s10, $0x1;
	s10 =	sld [smem:$0x3FBA];
	_ =	sdelay $0x3  }
0x34: {  	[smem:$0x3FBA] =	sst s10  }
0x35: {  	s10 =	sld [smem:$0x3FB9];
	_ =	sdelay $0x3  }
0x36: {  	p1 =	seq.s32 s10, $0x1;
	s10 =	sld [smem:$0x3FBA];
	_ =	sdelay $0x3  }
0x37: {  	[smem:$0x3FBA] =	sst s10  }
0x38: {  	s10 =	sld [smem:$0x3FBB]  }
0x39: {  	_ = 	snop;
	(pc) =	sbr.ind lr, $3  }
0x3a: {  	_ = 	snop  }
0x3b: {  	_ = 	snop  }
0x3c: {  	p2 =	seq.s32 s10, $0x1;
	s10 =	sld [smem:$0x3FBA]  }
0x3d: {  	_ =	shalt  }
0x3e: {  	_ =	shalt  }
0x3f: {  	_ =	shalt  }
0x40: {  	_ =	shalt  }
0x41: {  	_ =	shalt  }
0x42: {  	_ =	shalt  }
0x43: {  	_ =	shalt  }
0x44: {  	_ =	shalt  }
0x45: {  	_ =	shalt  }
0x46: {  	_ =	shalt  }
0x47: {  	_ =	shalt  }
0x48: {  	_ =	shalt  }
0x49: {  	_ =	shalt  }
0x4a: {  	_ =	shalt  }
0x4b: {  	_ =	shalt  }
0x4c: {  	_ =	shalt  }
0x4d: {  	_ =	shalt  }
0x4e: {  	_ =	shalt  }
0x4f: {  	_ =	shalt  }
0x50: {  	_ =	shalt  }
0x51: {  	_ =	shalt  }
0x52: {  	_ =	shalt  }
0x53: {  	_ =	shalt  }
0x54: {  	_ =	shalt  }
0x55: {  	_ =	shalt  }
0x56: {  	_ =	shalt  }
0x57: {  	_ =	shalt  }
0x58: {  	_ =	shalt  }
0x59: {  	_ =	shalt  }
0x5a: {  	_ =	shalt  }
0x5b: {  	_ =	shalt  }
0x5c: {  	_ =	shalt  }
0x5d: {  	_ =	shalt  }
0x5e: {  	_ =	shalt  }
0x5f: {  	_ =	shalt  }
0x60: {  	_ =	shalt  }
0x61: {  	_ =	shalt  }
0x62: {  	_ =	shalt  }
0x63: {  	_ =	shalt  }
0x64: {  	_ =	shalt  }
0x65: {  	_ =	shalt  }
0x66: {  	_ =	shalt  }
0x67: {  	_ =	shalt  }
0x68: {  	_ =	shalt  }
0x69: {  	_ =	shalt  }
0x6a: {  	_ =	shalt  }
0x6b: {  	_ =	shalt  }
0x6c: {  	_ =	shalt  }
0x6d: {  	_ =	shalt  }
0x6e: {  	_ =	shalt  }
0x6f: {  	_ =	shalt  }
0x70: {  	_ =	shalt  }
0x71: {  	_ =	shalt  }
0x72: {  	_ =	shalt  }
0x73: {  	_ =	shalt  }
0x74: {  	_ =	shalt  }
0x75: {  	_ =	shalt  }
0x76: {  	_ =	shalt  }
0x77: {  	_ =	shalt  }
0x78: {  	_ =	shalt  }
0x79: {  	_ =	shalt  }
0x7a: {  	_ =	shalt  }
0x7b: {  	_ =	shalt  }
0x7c: {  	_ =	shalt  }
0x7d: {  	_ =	shalt  }
0x7e: {  	_ =	shalt  }
0x7f: {  	_ =	shalt  }
0x80: {  	_ =	shalt  }
0x81: {  	_ =	shalt  }
0x82: {  	_ =	shalt  }
0x83: {  	_ =	shalt  }
0x84: {  	_ =	shalt  }
0x85: {  	_ =	shalt  }
0x86: {  	_ =	shalt  }
0x87: {  	_ =	shalt  }
.Lfunc_end0:
.L_simem_size_0:
called_computation_lowered:
.L_overlay_start_0:
0x88: {  	s2 =	sld [smem:$0x3FD9]  }
0x89: {  	s3 =	sld [smem:$0x3FFE];
	_ =	sdelay $0x1  }
0x8a: {  	s1 =	srdreg.scid  }
0x8b: {  	s0 =	sand.u32 $0x1, s1  }
0x8c: {  	s18 =	sshll.u32 s0, $0xA;
	s2 =	sadd.s32 s3, s2  }
0x8d: {  	s2 =	sadd.s32 s2, s18  }
0x8e: {  	[smem:$0x3FC6] =	sst s2  }
0x8f: {  	_ = 	snop  }
0x90: {  	s2 =	sld [smem:$0x3FC9]  }
0x91: {  	s19 =	sld [smem:$0x3FC8]  }
0x92: {  	s4 =	sld [smem:$0x3FD0];
	(tm) =	ssettm $0x1  }
0x93: {  	s5 =	sld [smem:$0x3FFB];
	_ =	sdelay $0x3  }
0x94: {  	_ =	strace s5  }
0x95: {  	s5 =	sld [smem:$0x3FFC];
	_ =	sdelay $0x3  }
0x96: {  	_ =	strace s5  }
0x97: {  	s5 =	sld [smem:$0x3FFD];
	_ =	sdelay $0x3  }
0x98: {  	_ =	strace s5  }
0x99: {  	_ =	strace $0x8FFFFFFF  }
0x9a: {  	s20 =	sld [smem:$0x3FDB];
	_ =	sdelay $0x1  }
0x9b: {  	s6 =	simm.s32 $_scs_section_size  }
0x9c: {  	s7 =	simm.s32 $_size__tile_overlayer_lowered;
	s8 =	simm.s32 $_tile_overlayer_lowered  }
0x9d: {  	s23 =	simm.s32 $0x1BFF;
	s22 =	sshll.u32 s8, $0x1;
	s5 =	sadd.s32 s6, s20  }
0x9e: {  	s9 =	simm.s32 $0x0;
	s21 =	sshll.u32 s7, $0x1;
	s7 =	sadd.s32 s22, s5  }
0x9f: {  	[timem:s9], [sflag:s23] =	dma.local [hbm:s7], s21  }
0xa0: {  	_ =	swait.ge [sflag:s23], s21  }
0xa1: {  	s6 =	ssub.s32 $0x0, s21;
	[sflag:s23] =	ssyncset.done $0x0  }
0xa2: {  	[sflag:s23] =	ssyncadd.s32 s6;
	_ =	sdelay $0x1  }
0xa3: {  	s24 =	simm.s32 $0x1B8B  }
0xa4: {  	_ =	swait.ge [sflag:s24], $0x1  }
0xa5: {  	[sflag:s24] =	ssyncset.done $0x0  }
0xa6: {  	s25 =	simm.s32 $0x1B8E;
	[sflag:s24] =	ssyncadd.s32 $0xFFFFFFFF  }
0xa7: {  	s26 =	simm.s32 $execute0_lowered;
	[smem:$0x3FD2] =	sst s25  }
0xa8: {  	s6 =	sshll.u32 s26, $0x1;
	_ =	strace $0x80000046;
	[dreg:$0x1] =	wrdreg $0xFFFFFFFF  }
0xa9: {  	s28 =	simm.s32 $_size_execute0_lowered;
	s5 =	sadd.s32 s5, s6;
	[dreg:$0x0] =	wrdreg $0x0  }
0xaa: {  	s6 =	sshll.u32 s28, $0x1;
	[dreg:$0x2] =	wrdreg s5  }
0xab: {  	[dreg:$0x3] =	wrdreg s6  }
0xac: {  	[dreg:$0x4] =	wrdreg $0xC0  }
0xad: {  	_ =	task [dreg:s9], $0x5FFFF  }
0xae: {  	[dreg:$0x1] =	wrdreg $0xFFFFFFFF  }
0xaf: {  	[dreg:$0x0] =	wrdreg $0x60  }
0xb0: {  	[dreg:$0x2] =	wrdreg s2  }
0xb1: {  	[dreg:$0x3] =	wrdreg s19  }
0xb2: {  	[dreg:$0x4] =	wrdreg s4  }
0xb3: {  	[dreg:$0x5] =	wrdreg $0x9  }
0xb4: {  	_ =	task.clear_ibuf [dreg:s9], $0x6FFFF;
	_ =	strace $0x90000046  }
0xb5: {  	s29 =	simm.s32 $0x9;
	_ =	strace $0x80000048  }
0xb6: {  	_ =	swait.ge [sflag:s29], $0x1  }
0xb7: {  	[sflag:s29] =	ssyncadd.s32 $0xFFFFFFFF  }
0xb8: {  	_ =	strace $0x90000048  }
0xb9: {  	_ =	sfence  }
0xba: {  	s30 =	sld [smem:$0x0];
	_ =	sdelay $0x2  }
0xbb: {  	s31 =	sshll.u32 s1, $0xD;
	s1 =	sshrl.u32 s1, $0x2  }
0xbc: {  	s3 =	sand.u32 $0x4000, s31;
	s1 =	sadd.s32 s1, s30  }
0xbd: {  	s0 =	sor.u32 s3, s0;
	s1 =	sshll.u32 s1, $0x11  }
0xbe: {  	s0 =	sor.u32 s1, s0  }
0xbf: {  	s0 =	sadd.s32 $0x8F2B, s0  }
0xc0: {  	[sflag:s0] =	ssyncadd.remote.s32 $0x1  }
0xc1: {  	_ =	sfence.sel $0xFFFF  }
0xc2: {  	[dreg:$0x0] =	wrdreg $0xFFFFFFFF;
	(pc) =	sbr.abs _section_cstart, $3  }
0xc3: {  	[dreg:$0x1] =	wrdreg $0xFFFFFFFF  }
0xc4: {  	_ =	task.clear_ibuf [dreg:s9], $0x2FFFF;
	_ =	strace $0x9FFFFFFF  }
0xc5: {  	(tm) =	ssettm $0x7FFFFFFF  }
tec
execute0_lowered:
.L_overlay_start_1:
0x0: {  	(tag) =	ssettag $0x1  }
0x1: {  	s0 =	rddreg [dreg:$0x0];
	s1 =	srdreg.scid  }
0x2: {  	s2 =	rddreg [dreg:$0x2];
	s3 =	stileid.u32;
	s12 =	simm.s32 $0x800  }
0x3: {  	s13 =	simm.s32 $0x8800;
	s14 =	simm.s32 $0x1;
	s16 =	simm.s32 $0x10800  }
0x4: {  	s17 =	simm.s32 $0x2;
	s18 =	simm.s32 $0x3;
	s1 =	sand.u32 $0x1, s1  }
0x5: {  	s4 =	sshll.u32 s3, $0x12;
	s3 =	simm.s32 $0x0;
	s5 =	sshll.u32 s1, $0x11  }
0x6: {  	s19 =	simm.s32 $0x4;
	[smem:$0x7FF] =	sst s3;
	s4 =	sor.u32 s5, s4  }
0x7: {  	s1 =	ssub.s32 $0x2, s1;
	_ =	strace $0x80000047;
	s7 =	sadd.s32 s0, s4  }
.Ltmp0:
0x8: {  	s29 =	sadd.s32 $0x1000, s7;
	[dreg:$0x4] =	wrdreg s7;
	(pc) =	sbr.rel .LBB2_1-.Ltmp0, $4  }
0x9: {  	s26 =	sshrl.u32 s1, $0x1;
	s30 =	sadd.s32 $0x2000, s7;
	[dreg:$0x5] =	wrdreg s29  }
0xa: {  	s28 =	ssub.s32 s1, s26;
	s31 =	sadd.s32 $0x3000, s7;
	[dreg:$0x6] =	wrdreg s30  }
0xb: {  	s6 =	sadd.s32 s2, s4;
	s0 =	smax.u32 s28, $0x1;
	[dreg:$0x7] =	wrdreg s31  }
0xc: {  	s1 =	simm.s32 $0x0;
	s10 =	sadd.s32 $0x800, s6;
	[dreg:$0x8] =	wrdreg s0  }
.LBB2_12:
0xd: {  	_ =	swait.ge [sflag:s18], $0x4000  }
0xe: {  	[sflag:s18] =	ssyncset.done $0x0  }
0xf: {  	[sflag:s18] =	ssyncadd.s32 $0xFFFFC000  }
0x10: {  	_ =	swait.ge [sflag:s19], $0x4000  }
0x11: {  	s1 =	rddreg [dreg:$0x9]  }
0x12: {  	s0 =	rddreg [dreg:$0x8];
	s1 =	sadd.s32 $0x1, s1  }
0x13: {  	p0 =	sne.s32 s1, s0  }
.Ltmp1:
0x14: {  	_ = 	snop;
	(pc) =	sbr.rel @!p0 .LBB2_13-.Ltmp1, $3  }
0x15: {  	_ =	sdelay $0x1  }
0x16: {  	[sflag:s19] =	ssyncset.done $0x0  }
0x17: {  	s16 =	simm.s32 $0x10800;
	[sflag:s19] =	ssyncadd.s32 $0xFFFFC000  }
.LBB2_1:
0x18: {  	[dreg:$0x9] =	wrdreg s1  }
0x19: {  	s0 =	rddreg [dreg:$0x1];
	s29 =	simm.s32 $0x5  }
0x1a: {  	[tilespmem:s3], [sflag:$0x5] =	stream.linear.gather [hbm4b:s0+s3], $0x800, $0x38;
	[tilespmem:$0x18800] =	vst v63  }
0x1b: {  	_ =	swait.ge [sflag:s29], $0x800  }
0x1c: {  	[sflag:s29] =	ssyncset.done $0x0  }
0x1d: {  	s30 =	rddreg [dreg:$0x4];
	[sflag:s29] =	ssyncadd.s32 $0xFFFFF800  }
0x1e: {  	[tilespmem:s12], [sflag:$0x1] =	stream.linear.gather [hbm4b:s30+s3], $0x8000, $0x38;
	[tilespmem:$0x18800] =	vst v63  }
0x1f: {  	s21 =	simm.s32 $0x0;
	s31 =	rddreg [dreg:$0x5]  }
0x20: {  	[tilespmem:s13], [sflag:$0x2] =	stream.linear.gather [hbm4b:s31+s3], $0x8000, $0x38;
	[tilespmem:$0x18800] =	vst v63  }
.LBB2_2:
0x21: {  	_ =	swait.ge [sflag:s14], $0x8000  }
0x22: {  	p0 =	seq.s32 s21, $0x0;
	[sflag:s14] =	ssyncset.done $0x0  }
0x23: {  	s23 =	simm.s32 $0x0;
	s0 =	simm.s32 @!p0 $0x3;
	[sflag:s14] =	ssyncadd.s32 $0xFFFF8000  }
0x24: {  	s26 =	sand.u32 $0x40, s23;
	_ =	swait.ge @!p0 [sflag:s0], $0x4000  }
0x25: {  	s1 =	sand.u32 $0x780, s23;
	s25 =	sor.u32 $0x10, s26;
	[sflag:s0] =	ssyncset.done @!p0 $0x0  }
0x26: {  	s9 =	sor.u32 s25, s1;
	[sflag:s0] =	ssyncadd.s32 @!p0 $0xFFFFC000  }
0x27: {  	v0 =	vld [tilespmem:s9+$0x0];
	_ =	sdelay $0x1  }
0x28: {  	s28 =	sor.u32 $0x30, s26  }
0x29: {  	s11 =	sor.u32 s28, s1  }
0x2a: {  	v1 =	vld [tilespmem:s11+$0x0]  }
0x2b: {  	v2 =	vshll.u32 v0, $0x3  }
0x2c: {  	v0 =	vand.u32 $0x7F, v0;
	v2 =	vand.u32 $0xFFFFFC00, v2  }
0x2d: {  	v17 =	vor.u32 v0, v2  }
0x2e: {  	s24 =	sor.u32 $0x20, s26;
	v2 =	vor.u32 $0x200, v17  }
0x2f: {  	s15 =	sor.u32 s24, s1;
	v0 =	vshll.u32 v1, $0x3;
	v3 =	vor.u32 $0x300, v17  }
0x30: {  	v12 =	vld [tilespmem:s15+$0x0];
	v1 =	vand.u32 $0x7F, v1;
	v0 =	vand.u32 $0xFFFFFC00, v0;
	v6 =	vor.u32 $0x280, v17  }
0x31: {  	v7 =	vor.u32 $0x100, v17;
	v19 =	vor.u32 v1, v0;
	v1 =	vld [tilespmem:s23+$0x0]  }
0x32: {  	v22 =	vor.u32 $0x80, v17;
	v10 =	vld.idx.msk [tilespmem:v17+s12+$0x0], $0xffff  }
0x33: {  	v0 =	vor.u32 $0x80, v19;
	v4 =	vld.idx.msk [tilespmem:v2+s12+$0x0], $0xffff  }
0x34: {  	v5 =	vld.idx.msk [tilespmem:v3+s12+$0x0], $0xffff  }
0x35: {  	v18 =	vor.u32 $0x100, v19;
	v8 =	vld.idx.msk [tilespmem:v6+s12+$0x0], $0xffff  }
0x36: {  	v2 =	vor.u32 $0x380, v19;
	v16 =	vld.idx.msk [tilespmem:v7+s12+$0x0], $0xffff  }
0x37: {  	v9 =	vor.u32 $0x300, v19;
	v25 =	vld.idx.msk [tilespmem:v22+s12+$0x0], $0xffff  }
0x38: {  	v3 =	vor.u32 $0x280, v19;
	v14 =	vld.idx.msk [tilespmem:v0+s12+$0x0], $0xffff;
	v0 =	vshll.u32 v1, $0x3  }
0x39: {  	v6 =	vor.u32 $0x200, v19;
	v15 =	vld.idx.msk [tilespmem:v19+s12+$0x0], $0xffff;
	v1 =	vand.u32 $0x7F, v1;
	v11 =	vand.u32 $0xFFFFFC00, v0  }
0x3a: {  	v13 =	vor.u32 $0x380, v17;
	v24 =	vld.idx.msk [tilespmem:v18+s12+$0x0], $0xffff;
	v23 =	vor.u32 v1, v11  }
0x3b: {  	v0 =	vld.idx.msk [tilespmem:v2+s12+$0x0], $0xffff;
	v1 =	vor.u32 $0x380, v23  }
0x3c: {  	v2 =	vld.idx.msk [tilespmem:v9+s12+$0x0], $0xffff;
	v9 =	vor.u32 $0x100, v23  }
0x3d: {  	v3 =	vld.idx.msk [tilespmem:v3+s12+$0x0], $0xffff;
	v20 =	vor.u32 $0x280, v23  }
0x3e: {  	v7 =	vor.u32 $0x200, v23;
	v11 =	vld.idx.msk [tilespmem:v6+s12+$0x0], $0xffff  }
0x3f: {  	v6 =	vld.idx.msk [tilespmem:v13+s12+$0x0], $0xffff;
	v21 =	vor.u32 $0x300, v23  }
0x40: {  	v18 =	vor.u32 $0x180, v23;
	v1 =	vld.idx.msk [tilespmem:v1+s12+$0x0], $0xffff  }
0x41: {  	v26 =	vor.u32 $0x80, v23;
	v27 =	vld.idx.msk [tilespmem:v9+s12+$0x0], $0xffff  }
0x42: {  	v9 =	vld.idx.msk [tilespmem:v20+s12+$0x0], $0xffff;
	v20 =	vshll.u32 v12, $0x3  }
0x43: {  	p2 =	por $0x0, $0x0;
	v22 =	vor.u32 $0x180, v17;
	v13 =	vld.idx.msk [tilespmem:v7+s12+$0x0], $0xffff;
	v12 =	vand.u32 $0x7F, v12;
	v20 =	vand.u32 $0xFFFFFC00, v20  }
0x44: {  	s22 =	sshll.u32 s21, $0xD;
	s29 =	simm.s32 $0x0;
	s30 =	simm.s32 $0x40;
	v7 =	vld.idx.msk [tilespmem:v21+s12+$0x0], $0xffff;
	v12 =	vor.u32 v12, v20;
	v20 =	vor.u32 $0x180, v19  }
0x45: {  	s31 =	simm.s32 $0x200;
	p1 =	por p2, p2;
	s20 =	sand.u32 $0x3C00, s23;
	v18 =	vld.idx.msk [tilespmem:v18+s12+$0x0], $0xffff  }
0x46: {  	p2 =	por !p2, !p2;
	s1 =	sadd.s32 $0x10800, s20;
	s0 =	simm.s32 $0x40;
	v26 =	vld.idx.msk [tilespmem:v26+s12+$0x0], $0xffff  }
.LBB2_3:
0x47: {  	s29 =	sadd.s32 $0x4, s29;
	v19 =	vld.idx.msk [tilespmem:v23+s12+$0x0], $0xffff;
	s5 =	sor.u32 s26, s1;
	s26 =	sand.u32 $0x40, s0  }
0x48: {  	s9 =	sand.u32 $0x780, s0;
	v17 =	vor.u32 $0x380, v12;
	s2 =	sor.u32 $0x10, s26;
	s11 =	sor.u32 $0x30, s26;
	[tilespmem:s5+$0x100] =	vst v27;
	v22 =	vld.idx.msk [tilespmem:v22+s12+$0x0], $0xffff  }
0x49: {  	v21 =	vor.u32 $0x300, v12;
	s8 =	sor.u32 s28, s1;
	s4 =	sor.u32 $0x20, s26;
	s20 =	sor.u32 s2, s9;
	v20 =	vld.idx.msk [tilespmem:v20+s12+$0x0], $0xffff  }
0x4a: {  	p3 =	slt.u32 s29, $0x7C;
	v27 =	vor.u32 $0x280, v12;
	v23 =	vld [tilespmem:s20+$0x0];
	s20 =	sor.u32 s4, s9;
	s9 =	sor.u32 s11, s9  }
0x4b: {  	v29 =	vor.u32 $0x200, v12;
	s28 =	smov.u32 s11;
	v28 =	vld [tilespmem:s20+$0x0];
	[tilespmem:s8+$0x0] =	vst v15  }
0x4c: {  	v15 =	vld [tilespmem:s9+$0x0];
	[tilespmem:s8+$0x80] =	vst v14  }
0x4d: {  	v14 =	vor.u32 $0x100, v12;
	v17 =	vld.idx.msk [tilespmem:v17+s12+$0x0], $0xffff;
	[tilespmem:s8+$0x100] =	vst v24  }
0x4e: {  	s9 =	sor.u32 s25, s1;
	s25 =	smov.u32 s2;
	v24 =	vor.u32 $0x80, v12;
	[tilespmem:s5+$0x0] =	vst v19;
	v19 =	vld.idx.msk [tilespmem:v21+s12+$0x0], $0xffff  }
0x4f: {  	v30 =	vshll.u32 v23, $0x3;
	[tilespmem:s9+$0x100] =	vst v16;
	v16 =	vor.u32 $0x180, v12;
	v21 =	vld.idx.msk [tilespmem:v27+s12+$0x0], $0xffff  }
0x50: {  	v23 =	vand.u32 $0x7F, v23;
	v27 =	vand.u32 $0xFFFFFC00, v30;
	v30 =	vshll.u32 v28, $0x3;
	[tilespmem:s9+$0x0] =	vst v10;
	v29 =	vld.idx.msk [tilespmem:v29+s12+$0x0], $0xffff  }
0x51: {  	s2 =	simm.s32 $0x1;
	v23 =	vor.u32 v23, v27;
	v10 =	vand.u32 $0x7F, v15;
	v15 =	vshll.u32 v15, $0x3;
	[tilespmem:s5+$0x80] =	vst v26;
	v26 =	vld.idx.msk [tilespmem:v12+s12+$0x0], $0xffff  }
0x52: {  	s2 =	simm.s32 @!p1 $0x0;
	p1 =	por p2, p2;
	v12 =	vand.u32 $0xFFFFFC00, v30;
	v27 =	vor.u32 $0x200, v23;
	v15 =	vand.u32 $0xFFFFFC00, v15;
	[tilespmem:s9+$0x80] =	vst v25;
	v25 =	vld.idx.msk [tilespmem:v14+s12+$0x0], $0xffff  }
0x53: {  	s2 =	sshll.u32 s2, $0x6;
	v30 =	vor.u32 $0x80, v23;
	v14 =	vand.u32 $0x7F, v28;
	v28 =	vor.u32 v10, v15;
	[tilespmem:s9+$0x180] =	vst v22;
	v24 =	vld.idx.msk [tilespmem:v24+s12+$0x0], $0xffff  }
0x54: {  	s2 =	sadd.s32 s2, s23;
	s23 =	smov.u32 s31;
	v32 =	vor.u32 $0x280, v23;
	v33 =	vor.u32 $0x380, v23;
	v31 =	vld [tilespmem:s30+$0x0];
	v34 =	vor.u32 $0x80, v28;
	[tilespmem:s8+$0x180] =	vst v20  }
0x55: {  	v35 =	vor.u32 $0x300, v23;
	v12 =	vor.u32 v14, v12;
	s9 =	sadd.s32 $0x10, s2;
	v36 =	vor.u32 $0x100, v28;
	s8 =	sadd.s32 $0x30, s2;
	[tilespmem:s5+$0x180] =	vst v18;
	s5 =	sor.u32 $0x200, s2;
	v18 =	vld.idx.msk [tilespmem:v16+s12+$0x0], $0xffff  }
0x56: {  	v20 =	vor.u32 $0x180, v28;
	s11 =	sor.u32 $0x200, s8;
	v10 =	vld.idx.msk [tilespmem:v23+s12+$0x0], $0xffff;
	[tilespmem:s5+$0x10800] =	vst v13;
	s5 =	sadd.s32 $0x20, s2  }
0x57: {  	s1 =	sor.u32 s24, s1;
	s24 =	smov.u32 s4;
	v16 =	vor.u32 $0x380, v28;
	v13 =	vor.u32 $0x100, v23;
	v27 =	vld.idx.msk [tilespmem:v27+s12+$0x0], $0xffff;
	[tilespmem:s11+$0x10800] =	vst v11  }
0x58: {  	v22 =	vor.u32 $0x180, v23;
	v15 =	vld.idx.msk [tilespmem:v28+s12+$0x0], $0xffff;
	[tilespmem:s1+$0x0] =	vst v26  }
0x59: {  	v26 =	vor.u32 $0x300, v28;
	v11 =	vshll.u32 v31, $0x3;
	v14 =	vld.idx.msk [tilespmem:v34+s12+$0x0], $0xffff;
	[tilespmem:s1+$0x80] =	vst v24  }
0x5a: {  	s4 =	sor.u32 $0x200, s9;
	v23 =	vand.u32 $0x7F, v31;
	v31 =	vor.u32 $0x280, v28;
	v11 =	vand.u32 $0xFFFFFC00, v11;
	v24 =	vld.idx.msk [tilespmem:v35+s12+$0x0], $0xffff;
	[tilespmem:s1+$0x100] =	vst v25  }
0x5b: {  	v23 =	vor.u32 v23, v11;
	v25 =	vld.idx.msk [tilespmem:v32+s12+$0x0], $0xffff;
	v11 =	vor.u32 $0x200, v28;
	[tilespmem:s4+$0x10800] =	vst v4;
	s4 =	sor.u32 $0x280, s9  }
0x5c: {  	v28 =	vor.u32 $0x80, v23;
	v32 =	vor.u32 $0x180, v23;
	v34 =	vor.u32 $0x380, v23;
	v35 =	vld.idx.msk [tilespmem:v16+s12+$0x0], $0xffff;
	[tilespmem:s4+$0x10800] =	vst v8;
	s4 =	sor.u32 $0x300, s9  }
0x5d: {  	v37 =	vor.u32 $0x100, v23;
	v38 =	vor.u32 $0x200, v23;
	v4 =	vmov v27;
	v16 =	vld.idx.msk [tilespmem:v13+s12+$0x0], $0xffff;
	[tilespmem:s4+$0x10800] =	vst v5;
	s4 =	sor.u32 $0x380, s9  }
0x5e: {  	v26 =	vld.idx.msk [tilespmem:v26+s12+$0x0], $0xffff;
	[tilespmem:s4+$0x10800] =	vst v6;
	s4 =	sor.u32 $0x280, s8  }
0x5f: {  	s9 =	sor.u32 $0x280, s2;
	[tilespmem:s4+$0x10800] =	vst v3;
	v3 =	vld.idx.msk [tilespmem:v31+s12+$0x0], $0xffff  }
0x60: {  	v5 =	vmov v24;
	v11 =	vld.idx.msk [tilespmem:v11+s12+$0x0], $0xffff;
	[tilespmem:s9+$0x10800] =	vst v9  }
0x61: {  	v9 =	vor.u32 $0x280, v23;
	v8 =	vmov v25;
	v6 =	vld.idx.msk [tilespmem:v33+s12+$0x0], $0xffff;
	[tilespmem:s1+$0x180] =	vst v18;
	s1 =	sor.u32 $0x200, s5  }
0x62: {  	v18 =	vor.u32 $0x300, v23;
	v24 =	vld.idx.msk [tilespmem:v36+s12+$0x0], $0xffff;
	[tilespmem:s1+$0x10800] =	vst v29;
	s1 =	sor.u32 $0x300, s8  }
0x63: {  	s4 =	sor.u32 $0x300, s2;
	v29 =	vld.idx.msk [tilespmem:v34+s12+$0x0], $0xffff;
	[tilespmem:s1+$0x10800] =	vst v2  }
0x64: {  	s1 =	sor.u32 $0x380, s8;
	v2 =	vmov v26;
	v13 =	vld.idx.msk [tilespmem:v38+s12+$0x0], $0xffff;
	[tilespmem:s4+$0x10800] =	vst v7  }
0x65: {  	s4 =	sor.u32 $0x280, s5;
	v27 =	vld.idx.msk [tilespmem:v37+s12+$0x0], $0xffff;
	[tilespmem:s1+$0x10800] =	vst v0;
	v0 =	vmov v35  }
.Ltmp2:
0x66: {  	s1 =	sor.u32 $0x300, s5;
	v9 =	vld.idx.msk [tilespmem:v9+s12+$0x0], $0xffff;
	[tilespmem:s4+$0x10800] =	vst v21;
	(pc) =	sbr.rel @p3 .LBB2_3-.Ltmp2, $4  }
0x67: {  	s2 =	sor.u32 $0x380, s2;
	v7 =	vld.idx.msk [tilespmem:v18+s12+$0x0], $0xffff;
	[tilespmem:s1+$0x10800] =	vst v19;
	s1 =	sor.u32 $0x380, s5  }
0x68: {  	v18 =	vld.idx.msk [tilespmem:v32+s12+$0x0], $0xffff;
	[tilespmem:s1+$0x10800] =	vst v17  }
0x69: {  	p2 =	por !p2, !p2;
	s30 =	sadd.s32 $0x40, s30;
	s1 =	sand.u32 $0x3C00, s31;
	v25 =	vld.idx.msk [tilespmem:v30+s12+$0x0], $0xffff;
	[tilespmem:s2+$0x10800] =	vst v1;
	v1 =	vmov v29  }
0x6a: {  	s0 =	sadd.s32 $0x40, s0;
	s31 =	sadd.s32 $0x200, s31;
	s1 =	sadd.s32 $0x10800, s1;
	v26 =	vld.idx.msk [tilespmem:v28+s12+$0x0], $0xffff  }
0x6b: {  	_ =	sdelay $0x2  }
0x6c: {  	s0 =	sor.u32 s26, s1  }
0x6d: {  	v17 =	vld.idx.msk [tilespmem:v23+s12+$0x0], $0xffff;
	s2 =	sor.u32 s28, s1;
	[tilespmem:s0+$0x100] =	vst v27  }
0x6e: {  	v19 =	vld.idx.msk [tilespmem:v20+s12+$0x0], $0xffff;
	[tilespmem:s2+$0x0] =	vst v15  }
0x6f: {  	[tilespmem:s2+$0x80] =	vst v14  }
0x70: {  	s4 =	sor.u32 s25, s1;
	[tilespmem:s2+$0x100] =	vst v24  }
0x71: {  	v21 =	vld.idx.msk [tilespmem:v22+s12+$0x0], $0xffff;
	[tilespmem:s4+$0x100] =	vst v16  }
0x72: {  	[tilespmem:s4+$0x0] =	vst v10  }
0x73: {  	[tilespmem:s0+$0x180] =	vst v18  }
0x74: {  	v20 =	vor.u32 $0x380, v12;
	s5 =	simm.s32 $0x1;
	[tilespmem:s4+$0x80] =	vst v25  }
0x75: {  	s5 =	simm.s32 @!p1 $0x0;
	[tilespmem:s0+$0x80] =	vst v26  }
0x76: {  	v15 =	vor.u32 $0x300, v12;
	s5 =	sshll.u32 s5, $0x6;
	[tilespmem:s0+$0x0] =	vst v17  }
0x77: {  	v14 =	vor.u32 $0x280, v12;
	[tilespmem:s4+$0x180] =	vst v21;
	s4 =	sadd.s32 s5, s23  }
0x78: {  	v16 =	vor.u32 $0x100, v12;
	[tilespmem:s2+$0x180] =	vst v19;
	s23 =	sor.u32 $0x200, s4;
	s2 =	sadd.s32 $0x30, s4  }
0x79: {  	v10 =	vor.u32 $0x200, v12;
	v20 =	vld.idx.msk [tilespmem:v20+s12+$0x0], $0xffff;
	s31 =	sadd.s32 $0x10, s4;
	[tilespmem:s23+$0x10800] =	vst v13;
	s25 =	sor.u32 $0x200, s2  }
0x7a: {  	v22 =	vor.u32 $0x180, v12;
	v17 =	vor.u32 $0x80, v12;
	v12 =	vld.idx.msk [tilespmem:v12+s12+$0x0], $0xffff;
	s7 =	sor.u32 $0x200, s31;
	[tilespmem:s25+$0x10800] =	vst v11  }
0x7b: {  	v15 =	vld.idx.msk [tilespmem:v15+s12+$0x0], $0xffff;
	s15 =	sor.u32 $0x280, s4;
	[tilespmem:s7+$0x10800] =	vst v4  }
0x7c: {  	v14 =	vld.idx.msk [tilespmem:v14+s12+$0x0], $0xffff;
	s8 =	sor.u32 $0x280, s31;
	[tilespmem:s15+$0x10800] =	vst v9  }
0x7d: {  	v16 =	vld.idx.msk [tilespmem:v16+s12+$0x0], $0xffff;
	s11 =	sor.u32 $0x280, s2;
	[tilespmem:s8+$0x10800] =	vst v8  }
0x7e: {  	v10 =	vld.idx.msk [tilespmem:v10+s12+$0x0], $0xffff;
	s25 =	sor.u32 $0x300, s4;
	[tilespmem:s11+$0x10800] =	vst v3  }
0x7f: {  	s26 =	sor.u32 s24, s1;
	v13 =	vld.idx.msk [tilespmem:v22+s12+$0x0], $0xffff;
	[tilespmem:s25+$0x10800] =	vst v7  }
0x80: {  	s9 =	sor.u32 $0x300, s31;
	v17 =	vld.idx.msk [tilespmem:v17+s12+$0x0], $0xffff;
	[tilespmem:s26+$0x0] =	vst v12  }
0x81: {  	s24 =	sor.u32 $0x300, s2;
	[tilespmem:s9+$0x10800] =	vst v5  }
0x82: {  	s5 =	sor.u32 $0x380, s4;
	[tilespmem:s24+$0x10800] =	vst v2  }
0x83: {  	[tilespmem:s5+$0x10800] =	vst v1  }
0x84: {  	s0 =	sor.u32 $0x380, s31;
	[tilespmem:s26+$0x100] =	vst v16  }
0x85: {  	[tilespmem:s0+$0x10800] =	vst v6  }
0x86: {  	s20 =	sadd.s32 $0x20, s4;
	[tilespmem:s26+$0x180] =	vst v13  }
0x87: {  	s23 =	sor.u32 $0x200, s20;
	[tilespmem:s26+$0x80] =	vst v17  }
0x88: {  	s26 =	sor.u32 $0x380, s2;
	[tilespmem:s23+$0x10800] =	vst v10  }
0x89: {  	s31 =	sor.u32 $0x280, s20;
	[tilespmem:s26+$0x10800] =	vst v0  }
0x8a: {  	s2 =	sor.u32 $0x300, s20;
	[tilespmem:s31+$0x10800] =	vst v14  }
0x8b: {  	s0 =	sor.u32 $0x380, s20;
	[tilespmem:s2+$0x10800] =	vst v15  }
0x8c: {  	s1 =	simm.s32 @!p0 $0x4;
	s7 =	sadd.s32 s22, s6;
	s26 =	simm.s32 $0x0;
	[tilespmem:s0+$0x10800] =	vst v20  }
0x8d: {  	[hbm4b:s7+s3] =	stream.linear.scatter [tilespmem:s16], [sflag:$0x3], $0x4000, $0x38;
	[tilespmem:$0x18800] =	vst v63  }
0x8e: {  	s23 =	sand.u32 $0x40, s26;
	_ =	swait.ge @!p0 [sflag:s1], $0x4000  }
0x8f: {  	s9 =	sand.u32 $0x780, s26;
	s8 =	sor.u32 $0x10, s23;
	[sflag:s1] =	ssyncset.done @!p0 $0x0  }
0x90: {  	s11 =	sor.u32 s8, s9;
	[sflag:s1] =	ssyncadd.s32 @!p0 $0xFFFFC000  }
0x91: {  	s25 =	sor.u32 $0x20, s23;
	v0 =	vld [tilespmem:s11+$0x0]  }
0x92: {  	s15 =	sor.u32 s25, s9  }
0x93: {  	v1 =	vld [tilespmem:s15+$0x0];
	_ =	sdelay $0x2  }
0x94: {  	v2 =	vshll.u32 v0, $0x3  }
0x95: {  	v0 =	vand.u32 $0x7F, v0;
	v2 =	vand.u32 $0xFFFFFC00, v2  }
0x96: {  	v3 =	vshll.u32 v1, $0x3;
	v5 =	vor.u32 v0, v2  }
0x97: {  	v0 =	vand.u32 $0x7F, v1;
	v1 =	vand.u32 $0xFFFFFC00, v3;
	v2 =	vadd.s32 $0x4380, v5  }
0x98: {  	s24 =	sor.u32 $0x30, s23;
	v3 =	vor.u32 v0, v1;
	v1 =	vadd.s32 $0x4100, v5  }
0x99: {  	s20 =	sor.u32 s24, s9;
	v11 =	vadd.s32 $0x4300, v5  }
0x9a: {  	v6 =	vld [tilespmem:s20+$0x0];
	v13 =	vadd.s32 $0x4280, v5  }
0x9b: {  	v9 =	vld [tilespmem:s26+$0x0];
	v4 =	vadd.s32 $0x4380, v3  }
0x9c: {  	v7 =	vadd.s32 $0x4300, v3;
	v0 =	vld.idx.msk [tilespmem:v2+s12+$0x0], $0xffff  }
0x9d: {  	v8 =	vadd.s32 $0x4000, v3;
	v17 =	vld.idx.msk [tilespmem:v1+s12+$0x0], $0xffff  }
0x9e: {  	v10 =	vadd.s32 $0x4200, v3;
	v18 =	vld.idx.msk [tilespmem:v11+s12+$0x0], $0xffff  }
0x9f: {  	v21 =	vld.idx.msk [tilespmem:v13+s12+$0x0], $0xffff  }
0xa0: {  	v15 =	vadd.s32 $0x4180, v5;
	v1 =	vld.idx.msk [tilespmem:v4+s12+$0x0], $0xffff  }
0xa1: {  	v14 =	vadd.s32 $0x4280, v3;
	v2 =	vld.idx.msk [tilespmem:v7+s12+$0x0], $0xffff  }
0xa2: {  	v11 =	vadd.s32 $0x4080, v5;
	v13 =	vshll.u32 v9, $0x3;
	v9 =	vand.u32 $0x7F, v9;
	v12 =	vld.idx.msk [tilespmem:v8+s12+$0x0], $0xffff  }
0xa3: {  	v7 =	vadd.s32 $0x4000, v5;
	v8 =	vadd.s32 $0x4100, v3;
	v4 =	vld.idx.msk [tilespmem:v10+s12+$0x0], $0xffff;
	v10 =	vshll.u32 v6, $0x3  }
0xa4: {  	v6 =	vand.u32 $0x7F, v6;
	v13 =	vand.u32 $0xFFFFFC00, v13;
	v10 =	vand.u32 $0xFFFFFC00, v10  }
0xa5: {  	v28 =	vld.idx.msk [tilespmem:v15+s12+$0x0], $0xffff;
	v23 =	vor.u32 v9, v13;
	v10 =	vor.u32 v6, v10;
	v6 =	vadd.s32 $0x4200, v5  }
0xa6: {  	v5 =	vld.idx.msk [tilespmem:v14+s12+$0x0], $0xffff;
	v15 =	vadd.s32 $0x4200, v23  }
0xa7: {  	v22 =	vadd.s32 $0x4380, v23;
	v29 =	vld.idx.msk [tilespmem:v11+s12+$0x0], $0xffff  }
0xa8: {  	v14 =	vadd.s32 $0x4080, v10;
	v26 =	vld.idx.msk [tilespmem:v7+s12+$0x0], $0xffff  }
0xa9: {  	v32 =	vadd.s32 $0x4080, v23;
	v20 =	vld.idx.msk [tilespmem:v8+s12+$0x0], $0xffff  }
0xaa: {  	v7 =	vadd.s32 $0x4100, v10;
	v27 =	vld.idx.msk [tilespmem:v6+s12+$0x0], $0xffff  }
0xab: {  	s31 =	sand.u32 $0x3C00, s26;
	v8 =	vadd.s32 $0x4000, v10;
	v6 =	vld.idx.msk [tilespmem:v15+s12+$0x0], $0xffff  }
0xac: {  	s1 =	sadd.s32 $0x14800, s31;
	v16 =	vadd.s32 $0x4180, v3;
	v30 =	vadd.s32 $0x4100, v23;
	v11 =	vadd.s32 $0x4080, v3;
	v3 =	vld.idx.msk [tilespmem:v22+s12+$0x0], $0xffff  }
0xad: {  	s8 =	sor.u32 s8, s1;
	v24 =	vadd.s32 $0x4280, v23;
	v9 =	vld.idx.msk [tilespmem:v14+s12+$0x0], $0xffff  }
0xae: {  	s28 =	simm.s32 $0x0;
	s2 =	simm.s32 $0x1;
	p0 =	por $0x0, $0x0;
	v31 =	vadd.s32 $0x4300, v23;
	[tilespmem:s8+$0x80] =	vst v29;
	v29 =	vld.idx.msk [tilespmem:v32+s12+$0x0], $0xffff  }
0xaf: {  	s29 =	simm.s32 $0x40;
	s30 =	simm.s32 $0x0;
	s2 =	simm.s32 @!p0 $0x0;
	v25 =	vadd.s32 $0x4000, v23;
	v19 =	vadd.s32 $0x4180, v10;
	v15 =	vadd.s32 $0x4280, v10;
	v13 =	vld.idx.msk [tilespmem:v7+s12+$0x0], $0xffff  }
0xb0: {  	s0 =	simm.s32 $0x0;
	p0 =	por !p0, !p0;
	s2 =	sshll.u32 s2, $0x6;
	v22 =	vadd.s32 $0x4180, v23;
	v14 =	vadd.s32 $0x4200, v10;
	v7 =	vld.idx.msk [tilespmem:v8+s12+$0x0], $0xffff;
	v8 =	vadd.s32 $0x4300, v10  }
.LBB2_5:
0xb1: {  	s7 =	sand.u32 $0x40, s29;
	s28 =	sadd.s32 $0x4, s28;
	v30 =	vld.idx.msk [tilespmem:v30+s12+$0x0], $0xffff;
	s26 =	sadd.s32 $0x200, s26  }
0xb2: {  	s4 =	sand.u32 $0x780, s29;
	s31 =	sor.u32 $0x10, s7;
	s11 =	sor.u32 $0x20, s7;
	v24 =	vld.idx.msk [tilespmem:v24+s12+$0x0], $0xffff  }
0xb3: {  	s20 =	sor.u32 $0x30, s7;
	s5 =	sor.u32 s31, s4;
	s9 =	sor.u32 s11, s4;
	v23 =	vld.idx.msk [tilespmem:v31+s12+$0x0], $0xffff  }
0xb4: {  	s2 =	sadd.s32 s2, s30;
	p1 =	slt.u32 s28, $0x7C;
	s15 =	sor.u32 s20, s4;
	v31 =	vld [tilespmem:s5+$0x0];
	[tilespmem:s8+$0x100] =	vst v17  }
0xb5: {  	s4 =	sadd.s32 $0x20, s2;
	s5 =	sadd.s32 $0x30, s2;
	v17 =	vld [tilespmem:s9+$0x0];
	[tilespmem:s8+$0x180] =	vst v28;
	s9 =	sadd.s32 $0x10, s2  }
0xb6: {  	s30 =	smov.u32 s26;
	v28 =	vld [tilespmem:s15+$0x0];
	[tilespmem:s8+$0x0] =	vst v26;
	s8 =	sor.u32 $0x200, s9  }
0xb7: {  	v25 =	vld.idx.msk [tilespmem:v25+s12+$0x0], $0xffff;
	[tilespmem:s8+$0x14800] =	vst v27;
	s8 =	sor.u32 $0x280, s9  }
0xb8: {  	[tilespmem:s8+$0x14800] =	vst v21;
	s8 =	sor.u32 $0x300, s9;
	v16 =	vld.idx.msk [tilespmem:v16+s12+$0x0], $0xffff  }
0xb9: {  	v10 =	vadd.s32 $0x4380, v10;
	v21 =	vand.u32 $0x7F, v31;
	v26 =	vshll.u32 v31, $0x3;
	[tilespmem:s8+$0x14800] =	vst v18;
	v18 =	vld.idx.msk [tilespmem:v11+s12+$0x0], $0xffff;
	s8 =	sor.u32 s25, s1;
	s25 =	smov.u32 s11  }
0xba: {  	v11 =	vand.u32 $0xFFFFFC00, v26;
	v26 =	vand.u32 $0x7F, v17;
	v17 =	vshll.u32 v17, $0x3;
	[tilespmem:s8+$0x0] =	vst v12;
	v12 =	vld.idx.msk [tilespmem:v19+s12+$0x0], $0xffff  }
0xbb: {  	s11 =	sor.u32 s23, s1;
	s23 =	smov.u32 s7;
	v21 =	vor.u32 v21, v11;
	v11 =	vand.u32 $0xFFFFFC00, v17;
	v17 =	vshll.u32 v28, $0x3;
	v27 =	vld.idx.msk [tilespmem:v22+s12+$0x0], $0xffff;
	[tilespmem:s8+$0x100] =	vst v20  }
0xbc: {  	v20 =	vadd.s32 $0x4000, v21;
	v19 =	vadd.s32 $0x4380, v21;
	v22 =	vor.u32 v26, v11;
	[tilespmem:s11+$0x80] =	vst v29;
	v29 =	vld.idx.msk [tilespmem:v14+s12+$0x0], $0xffff  }
0xbd: {  	s0 =	sadd.s32 $0x40, s0;
	v28 =	vand.u32 $0x7F, v28;
	v14 =	vadd.s32 $0x4100, v21;
	v26 =	vadd.s32 $0x4000, v22;
	[tilespmem:s11+$0x100] =	vst v30;
	v32 =	vld.idx.msk [tilespmem:v15+s12+$0x0], $0xffff  }
0xbe: {  	v17 =	vand.u32 $0xFFFFFC00, v17;
	v11 =	vadd.s32 $0x4080, v22;
	v30 =	vadd.s32 $0x4380, v22;
	v15 =	vld [tilespmem:s0+$0x0];
	[tilespmem:s8+$0x180] =	vst v16  }
0xbf: {  	v31 =	vadd.s32 $0x4100, v22;
	v33 =	vadd.s32 $0x4280, v22;
	v34 =	vadd.s32 $0x4300, v22;
	[tilespmem:s11+$0x0] =	vst v25;
	v35 =	vld.idx.msk [tilespmem:v8+s12+$0x0], $0xffff  }
0xc0: {  	s1 =	sor.u32 s24, s1;
	s24 =	smov.u32 s20;
	v36 =	vadd.s32 $0x4080, v21;
	v37 =	vadd.s32 $0x4300, v21;
	v16 =	vadd.s32 $0x4180, v22;
	[tilespmem:s8+$0x80] =	vst v18;
	v38 =	vld.idx.msk [tilespmem:v10+s12+$0x0], $0xffff  }
0xc1: {  	s7 =	sor.u32 $0x200, s4;
	v39 =	vadd.s32 $0x4180, v21;
	v18 =	vadd.s32 $0x4200, v22;
	v10 =	vor.u32 v28, v17;
	v40 =	vld.idx.msk [tilespmem:v19+s12+$0x0], $0xffff;
	[tilespmem:s1+$0x180] =	vst v12  }
0xc2: {  	v28 =	vadd.s32 $0x4280, v21;
	v41 =	vadd.s32 $0x4000, v10;
	v42 =	vadd.s32 $0x4100, v10;
	v17 =	vld.idx.msk [tilespmem:v14+s12+$0x0], $0xffff;
	[tilespmem:s7+$0x14800] =	vst v4  }
0xc3: {  	v44 =	vadd.s32 $0x4080, v10;
	v8 =	vadd.s32 $0x4300, v10;
	v4 =	vshll.u32 v15, $0x3;
	v43 =	vld.idx.msk [tilespmem:v30+s12+$0x0], $0xffff;
	[tilespmem:s1+$0x100] =	vst v13  }
0xc4: {  	v14 =	vadd.s32 $0x4200, v10;
	s7 =	sor.u32 $0x280, s4;
	v12 =	vand.u32 $0x7F, v15;
	v4 =	vand.u32 $0xFFFFFC00, v4;
	v13 =	vld.idx.msk [tilespmem:v34+s12+$0x0], $0xffff;
	[tilespmem:s1+$0x80] =	vst v9  }
0xc5: {  	v19 =	vadd.s32 $0x4180, v10;
	v15 =	vadd.s32 $0x4280, v10;
	v9 =	vor.u32 v12, v4;
	v12 =	vld.idx.msk [tilespmem:v26+s12+$0x0], $0xffff;
	[tilespmem:s7+$0x14800] =	vst v5;
	s7 =	sor.u32 $0x300, s4  }
0xc6: {  	s4 =	sor.u32 $0x380, s4;
	v25 =	vadd.s32 $0x4000, v9;
	v34 =	vadd.s32 $0x4080, v9;
	v45 =	vadd.s32 $0x4200, v9;
	v4 =	vld.idx.msk [tilespmem:v18+s12+$0x0], $0xffff;
	[tilespmem:s7+$0x14800] =	vst v2  }
0xc7: {  	v46 =	vadd.s32 $0x4200, v21;
	v30 =	vadd.s32 $0x4100, v9;
	v22 =	vadd.s32 $0x4180, v9;
	v18 =	vld.idx.msk [tilespmem:v37+s12+$0x0], $0xffff;
	[tilespmem:s4+$0x14800] =	vst v1  }
0xc8: {  	v21 =	vld.idx.msk [tilespmem:v28+s12+$0x0], $0xffff;
	[tilespmem:s1+$0x0] =	vst v7  }
0xc9: {  	s1 =	sor.u32 $0x200, s2;
	v1 =	vmov v43;
	v5 =	vld.idx.msk [tilespmem:v33+s12+$0x0], $0xffff;
	[tilespmem:s11+$0x180] =	vst v27  }
0xca: {  	v2 =	vmov v13;
	v26 =	vld.idx.msk [tilespmem:v20+s12+$0x0], $0xffff;
	[tilespmem:s1+$0x14800] =	vst v6;
	s1 =	sor.u32 $0x280, s2  }
0xcb: {  	v33 =	vadd.s32 $0x4380, v9;
	v20 =	vld.idx.msk [tilespmem:v31+s12+$0x0], $0xffff;
	[tilespmem:s1+$0x14800] =	vst v24;
	s1 =	sor.u32 $0x380, s9  }
0xcc: {  	s4 =	sor.u32 $0x300, s2;
	v24 =	vadd.s32 $0x4280, v9;
	v28 =	vld.idx.msk [tilespmem:v39+s12+$0x0], $0xffff;
	[tilespmem:s1+$0x14800] =	vst v0;
	v0 =	vmov v40  }
0xcd: {  	v31 =	vadd.s32 $0x4300, v9;
	s1 =	sor.u32 $0x200, s5;
	v36 =	vld.idx.msk [tilespmem:v36+s12+$0x0], $0xffff;
	[tilespmem:s4+$0x14800] =	vst v23  }
0xce: {  	v27 =	vld.idx.msk [tilespmem:v46+s12+$0x0], $0xffff;
	[tilespmem:s1+$0x14800] =	vst v29;
	s1 =	sor.u32 $0x280, s5  }
0xcf: {  	s2 =	sor.u32 $0x380, s2;
	v9 =	vld.idx.msk [tilespmem:v44+s12+$0x0], $0xffff;
	[tilespmem:s1+$0x14800] =	vst v32;
	s1 =	sor.u32 $0x300, s5  }
.Ltmp3:
0xd0: {  	s4 =	sand.u32 $0x3C00, s26;
	s5 =	sor.u32 $0x380, s5;
	v13 =	vld.idx.msk [tilespmem:v42+s12+$0x0], $0xffff;
	[tilespmem:s1+$0x14800] =	vst v35;
	(pc) =	sbr.rel @p1 .LBB2_5-.Ltmp3, $4  }
0xd1: {  	s1 =	sadd.s32 $0x14800, s4;
	v7 =	vld.idx.msk [tilespmem:v41+s12+$0x0], $0xffff;
	[tilespmem:s5+$0x14800] =	vst v38  }
0xd2: {  	s8 =	sor.u32 s31, s1;
	v6 =	vld.idx.msk [tilespmem:v45+s12+$0x0], $0xffff;
	[tilespmem:s2+$0x14800] =	vst v3;
	s2 =	simm.s32 $0x1  }
0xd3: {  	s2 =	simm.s32 @!p0 $0x0;
	v3 =	vld.idx.msk [tilespmem:v33+s12+$0x0], $0xffff;
	[tilespmem:s8+$0x80] =	vst v36  }
0xd4: {  	s29 =	sadd.s32 $0x40, s29;
	p0 =	por !p0, !p0;
	s2 =	sshll.u32 s2, $0x6;
	v29 =	vld.idx.msk [tilespmem:v34+s12+$0x0], $0xffff  }
0xd5: {  	_ =	sdelay $0x2  }
0xd6: {  	[tilespmem:s8+$0x100] =	vst v17  }
0xd7: {  	v17 =	vld.idx.msk [tilespmem:v30+s12+$0x0], $0xffff;
	[tilespmem:s8+$0x180] =	vst v28  }
0xd8: {  	s0 =	sadd.s32 s2, s30;
	[tilespmem:s8+$0x0] =	vst v26;
	v16 =	vld.idx.msk [tilespmem:v16+s12+$0x0], $0xffff;
	s20 =	sor.u32 s25, s1  }
0xd9: {  	v11 =	vld.idx.msk [tilespmem:v11+s12+$0x0], $0xffff;
	s2 =	sadd.s32 $0x10, s0;
	[tilespmem:s20+$0x0] =	vst v12  }
0xda: {  	v23 =	vld.idx.msk [tilespmem:v24+s12+$0x0], $0xffff;
	[tilespmem:s20+$0x100] =	vst v20;
	s4 =	sor.u32 $0x200, s2  }
0xdb: {  	v24 =	vld.idx.msk [tilespmem:v31+s12+$0x0], $0xffff;
	s11 =	sor.u32 $0x280, s2;
	[tilespmem:s4+$0x14800] =	vst v27  }
0xdc: {  	v19 =	vld.idx.msk [tilespmem:v19+s12+$0x0], $0xffff;
	s15 =	sor.u32 $0x300, s2;
	[tilespmem:s11+$0x14800] =	vst v21  }
0xdd: {  	v10 =	vadd.s32 $0x4380, v10;
	s5 =	sor.u32 s23, s1;
	v12 =	vld.idx.msk [tilespmem:v22+s12+$0x0], $0xffff;
	[tilespmem:s15+$0x14800] =	vst v18  }
0xde: {  	v18 =	vld.idx.msk [tilespmem:v25+s12+$0x0], $0xffff;
	[tilespmem:s5+$0x80] =	vst v29  }
0xdf: {  	v14 =	vld.idx.msk [tilespmem:v14+s12+$0x0], $0xffff;
	[tilespmem:s5+$0x100] =	vst v17  }
0xe0: {  	v15 =	vld.idx.msk [tilespmem:v15+s12+$0x0], $0xffff;
	[tilespmem:s20+$0x180] =	vst v16  }
0xe1: {  	v8 =	vld.idx.msk [tilespmem:v8+s12+$0x0], $0xffff;
	s24 =	sor.u32 s24, s1;
	[tilespmem:s20+$0x80] =	vst v11  }
0xe2: {  	v10 =	vld.idx.msk [tilespmem:v10+s12+$0x0], $0xffff;
	[tilespmem:s24+$0x180] =	vst v19  }
0xe3: {  	[tilespmem:s24+$0x100] =	vst v13  }
0xe4: {  	s7 =	sadd.s32 $0x20, s0;
	[tilespmem:s24+$0x80] =	vst v9  }
0xe5: {  	s25 =	sor.u32 $0x200, s7;
	[tilespmem:s24+$0x0] =	vst v7  }
0xe6: {  	[tilespmem:s25+$0x14800] =	vst v4  }
0xe7: {  	s20 =	sor.u32 $0x380, s2;
	[tilespmem:s5+$0x180] =	vst v12  }
0xe8: {  	s23 =	sadd.s32 $0x30, s0;
	s26 =	sor.u32 $0x280, s7;
	[tilespmem:s20+$0x14800] =	vst v0  }
0xe9: {  	s25 =	sor.u32 $0x200, s23;
	[tilespmem:s26+$0x14800] =	vst v5  }
0xea: {  	s8 =	sor.u32 $0x300, s7;
	[tilespmem:s25+$0x14800] =	vst v14  }
0xeb: {  	s26 =	sor.u32 $0x280, s23;
	[tilespmem:s8+$0x14800] =	vst v2  }
0xec: {  	s9 =	sor.u32 $0x380, s7;
	[tilespmem:s26+$0x14800] =	vst v15  }
0xed: {  	s4 =	sor.u32 $0x300, s23;
	[tilespmem:s9+$0x14800] =	vst v1  }
0xee: {  	[tilespmem:s4+$0x14800] =	vst v8  }
0xef: {  	s11 =	sor.u32 $0x200, s0;
	[tilespmem:s5+$0x0] =	vst v18  }
0xf0: {  	s5 =	sor.u32 $0x380, s23;
	[tilespmem:s11+$0x14800] =	vst v6  }
0xf1: {  	s15 =	sor.u32 $0x280, s0;
	[tilespmem:s5+$0x14800] =	vst v10  }
0xf2: {  	s24 =	sor.u32 $0x300, s0;
	[tilespmem:s15+$0x14800] =	vst v23  }
0xf3: {  	s0 =	sor.u32 $0x380, s0;
	[tilespmem:s24+$0x14800] =	vst v24  }
0xf4: {  	s7 =	sadd.s32 s10, s22;
	s8 =	simm.s32 $0x14800;
	[tilespmem:s0+$0x14800] =	vst v3  }
0xf5: {  	[hbm4b:s7+s3] =	stream.linear.scatter [tilespmem:s8], [sflag:$0x4], $0x4000, $0x38;
	[tilespmem:$0x18800] =	vst v63  }
0xf6: {  	p0 =	seq.s32 s21, $0xF;
	s0 =	rddreg [dreg:$0x6]  }
0xf7: {  	s1 =	simm.s32 @!p0 $0x0;
	s2 =	simm.s32 @!p0 $0x800;
	s0 =	sadd.s32 @!p0 s22, s0  }
0xf8: {  	[tilespmem:s2], [sflag:$0x1] =	stream.linear.gather @!p0 [hbm4b:s0+s1], $0x8000, $0x38;
	[tilespmem:$0x18800] =	vst v63  }
0xf9: {  	_ =	swait.ge [sflag:s17], $0x8000  }
0xfa: {  	[sflag:s17] =	ssyncset.done $0x0  }
0xfb: {  	s23 =	simm.s32 $0x0;
	[sflag:s17] =	ssyncadd.s32 $0xFFFF8000  }
0xfc: {  	s26 =	sand.u32 $0x40, s23;
	_ =	swait.ge [sflag:s18], $0x4000  }
0xfd: {  	s9 =	sand.u32 $0x780, s23;
	s25 =	sor.u32 $0x10, s26;
	[sflag:s18] =	ssyncset.done $0x0  }
0xfe: {  	s11 =	sor.u32 s25, s9;
	[sflag:s18] =	ssyncadd.s32 $0xFFFFC000  }
0xff: {  	v0 =	vld [tilespmem:s11+$0x0];
	_ =	sdelay $0x1  }
0x100: {  	s28 =	sor.u32 $0x30, s26  }
0x101: {  	s15 =	sor.u32 s28, s9  }
0x102: {  	v1 =	vld [tilespmem:s15+$0x0]  }
0x103: {  	v2 =	vshll.u32 v0, $0x3  }
0x104: {  	v0 =	vand.u32 $0x7F, v0;
	v2 =	vand.u32 $0xFFFFFC00, v2  }
0x105: {  	v17 =	vor.u32 v0, v2  }
0x106: {  	s24 =	sor.u32 $0x20, s26;
	v2 =	vor.u32 $0x200, v17  }
0x107: {  	s0 =	sor.u32 s24, s9;
	v0 =	vshll.u32 v1, $0x3;
	v3 =	vor.u32 $0x300, v17  }
0x108: {  	v12 =	vld [tilespmem:s0+$0x0];
	v1 =	vand.u32 $0x7F, v1;
	v0 =	vand.u32 $0xFFFFFC00, v0;
	v6 =	vor.u32 $0x280, v17  }
0x109: {  	v7 =	vor.u32 $0x100, v17;
	v19 =	vor.u32 v1, v0;
	v1 =	vld [tilespmem:s23+$0x0]  }
0x10a: {  	v22 =	vor.u32 $0x80, v17;
	v10 =	vld.idx.msk [tilespmem:v17+s13+$0x0], $0xffff  }
0x10b: {  	v0 =	vor.u32 $0x80, v19;
	v4 =	vld.idx.msk [tilespmem:v2+s13+$0x0], $0xffff  }
0x10c: {  	v5 =	vld.idx.msk [tilespmem:v3+s13+$0x0], $0xffff  }
0x10d: {  	v18 =	vor.u32 $0x100, v19;
	v8 =	vld.idx.msk [tilespmem:v6+s13+$0x0], $0xffff  }
0x10e: {  	v2 =	vor.u32 $0x380, v19;
	v16 =	vld.idx.msk [tilespmem:v7+s13+$0x0], $0xffff  }
0x10f: {  	v9 =	vor.u32 $0x300, v19;
	v25 =	vld.idx.msk [tilespmem:v22+s13+$0x0], $0xffff  }
0x110: {  	v3 =	vor.u32 $0x280, v19;
	v14 =	vld.idx.msk [tilespmem:v0+s13+$0x0], $0xffff;
	v0 =	vshll.u32 v1, $0x3  }
0x111: {  	v6 =	vor.u32 $0x200, v19;
	v15 =	vld.idx.msk [tilespmem:v19+s13+$0x0], $0xffff;
	v1 =	vand.u32 $0x7F, v1;
	v11 =	vand.u32 $0xFFFFFC00, v0  }
0x112: {  	v13 =	vor.u32 $0x380, v17;
	v24 =	vld.idx.msk [tilespmem:v18+s13+$0x0], $0xffff;
	v23 =	vor.u32 v1, v11  }
0x113: {  	v0 =	vld.idx.msk [tilespmem:v2+s13+$0x0], $0xffff;
	v1 =	vor.u32 $0x380, v23  }
0x114: {  	v2 =	vld.idx.msk [tilespmem:v9+s13+$0x0], $0xffff;
	v9 =	vor.u32 $0x100, v23  }
0x115: {  	v3 =	vld.idx.msk [tilespmem:v3+s13+$0x0], $0xffff;
	v20 =	vor.u32 $0x280, v23  }
0x116: {  	v7 =	vor.u32 $0x200, v23;
	v11 =	vld.idx.msk [tilespmem:v6+s13+$0x0], $0xffff  }
0x117: {  	v6 =	vld.idx.msk [tilespmem:v13+s13+$0x0], $0xffff;
	v21 =	vor.u32 $0x300, v23  }
0x118: {  	v18 =	vor.u32 $0x180, v23;
	v1 =	vld.idx.msk [tilespmem:v1+s13+$0x0], $0xffff  }
0x119: {  	v26 =	vor.u32 $0x80, v23;
	v27 =	vld.idx.msk [tilespmem:v9+s13+$0x0], $0xffff  }
0x11a: {  	v9 =	vld.idx.msk [tilespmem:v20+s13+$0x0], $0xffff;
	v20 =	vshll.u32 v12, $0x3  }
0x11b: {  	v22 =	vor.u32 $0x180, v17;
	v13 =	vld.idx.msk [tilespmem:v7+s13+$0x0], $0xffff;
	v12 =	vand.u32 $0x7F, v12;
	v20 =	vand.u32 $0xFFFFFC00, v20  }
0x11c: {  	p2 =	por $0x0, $0x0;
	s29 =	simm.s32 $0x0;
	s30 =	simm.s32 $0x40;
	v7 =	vld.idx.msk [tilespmem:v21+s13+$0x0], $0xffff;
	v12 =	vor.u32 v12, v20;
	v20 =	vor.u32 $0x180, v19  }
0x11d: {  	s31 =	simm.s32 $0x200;
	p1 =	por p2, p2;
	s20 =	sand.u32 $0x3C00, s23;
	v18 =	vld.idx.msk [tilespmem:v18+s13+$0x0], $0xffff  }
0x11e: {  	p2 =	por !p2, !p2;
	s1 =	sadd.s32 $0x10800, s20;
	s0 =	simm.s32 $0x40;
	v26 =	vld.idx.msk [tilespmem:v26+s13+$0x0], $0xffff  }
.LBB2_7:
0x11f: {  	s29 =	sadd.s32 $0x4, s29;
	v19 =	vld.idx.msk [tilespmem:v23+s13+$0x0], $0xffff;
	s5 =	sor.u32 s26, s1;
	s26 =	sand.u32 $0x40, s0  }
0x120: {  	s7 =	sand.u32 $0x780, s0;
	v17 =	vor.u32 $0x380, v12;
	s2 =	sor.u32 $0x10, s26;
	s9 =	sor.u32 $0x30, s26;
	[tilespmem:s5+$0x100] =	vst v27;
	v22 =	vld.idx.msk [tilespmem:v22+s13+$0x0], $0xffff  }
0x121: {  	v21 =	vor.u32 $0x300, v12;
	s8 =	sor.u32 s28, s1;
	s4 =	sor.u32 $0x20, s26;
	s11 =	sor.u32 s2, s7;
	v20 =	vld.idx.msk [tilespmem:v20+s13+$0x0], $0xffff  }
0x122: {  	p3 =	slt.u32 s29, $0x7C;
	v27 =	vor.u32 $0x280, v12;
	v23 =	vld [tilespmem:s11+$0x0];
	s11 =	sor.u32 s4, s7;
	s7 =	sor.u32 s9, s7  }
0x123: {  	v29 =	vor.u32 $0x200, v12;
	s28 =	smov.u32 s9;
	v28 =	vld [tilespmem:s11+$0x0];
	[tilespmem:s8+$0x0] =	vst v15  }
0x124: {  	v15 =	vld [tilespmem:s7+$0x0];
	[tilespmem:s8+$0x80] =	vst v14  }
0x125: {  	v14 =	vor.u32 $0x100, v12;
	v17 =	vld.idx.msk [tilespmem:v17+s13+$0x0], $0xffff;
	[tilespmem:s8+$0x100] =	vst v24  }
0x126: {  	s7 =	sor.u32 s25, s1;
	s25 =	smov.u32 s2;
	v24 =	vor.u32 $0x80, v12;
	[tilespmem:s5+$0x0] =	vst v19;
	v19 =	vld.idx.msk [tilespmem:v21+s13+$0x0], $0xffff  }
0x127: {  	v30 =	vshll.u32 v23, $0x3;
	[tilespmem:s7+$0x100] =	vst v16;
	v16 =	vor.u32 $0x180, v12;
	v21 =	vld.idx.msk [tilespmem:v27+s13+$0x0], $0xffff  }
0x128: {  	v23 =	vand.u32 $0x7F, v23;
	v27 =	vand.u32 $0xFFFFFC00, v30;
	v30 =	vshll.u32 v28, $0x3;
	[tilespmem:s7+$0x0] =	vst v10;
	v29 =	vld.idx.msk [tilespmem:v29+s13+$0x0], $0xffff  }
0x129: {  	s2 =	simm.s32 $0x1;
	v23 =	vor.u32 v23, v27;
	v10 =	vand.u32 $0x7F, v15;
	v15 =	vshll.u32 v15, $0x3;
	[tilespmem:s5+$0x80] =	vst v26;
	v26 =	vld.idx.msk [tilespmem:v12+s13+$0x0], $0xffff  }
0x12a: {  	s2 =	simm.s32 @!p1 $0x0;
	p1 =	por p2, p2;
	v12 =	vand.u32 $0xFFFFFC00, v30;
	v27 =	vor.u32 $0x200, v23;
	v15 =	vand.u32 $0xFFFFFC00, v15;
	[tilespmem:s7+$0x80] =	vst v25;
	v25 =	vld.idx.msk [tilespmem:v14+s13+$0x0], $0xffff  }
0x12b: {  	s2 =	sshll.u32 s2, $0x6;
	v30 =	vor.u32 $0x80, v23;
	v14 =	vand.u32 $0x7F, v28;
	v28 =	vor.u32 v10, v15;
	[tilespmem:s7+$0x180] =	vst v22;
	v24 =	vld.idx.msk [tilespmem:v24+s13+$0x0], $0xffff  }
0x12c: {  	s2 =	sadd.s32 s2, s23;
	s23 =	smov.u32 s31;
	v32 =	vor.u32 $0x280, v23;
	v33 =	vor.u32 $0x380, v23;
	v31 =	vld [tilespmem:s30+$0x0];
	v34 =	vor.u32 $0x80, v28;
	[tilespmem:s8+$0x180] =	vst v20  }
0x12d: {  	v35 =	vor.u32 $0x300, v23;
	v12 =	vor.u32 v14, v12;
	s7 =	sadd.s32 $0x10, s2;
	v36 =	vor.u32 $0x100, v28;
	s8 =	sadd.s32 $0x30, s2;
	[tilespmem:s5+$0x180] =	vst v18;
	s5 =	sor.u32 $0x200, s2;
	v18 =	vld.idx.msk [tilespmem:v16+s13+$0x0], $0xffff  }
0x12e: {  	v20 =	vor.u32 $0x180, v28;
	s9 =	sor.u32 $0x200, s8;
	v10 =	vld.idx.msk [tilespmem:v23+s13+$0x0], $0xffff;
	[tilespmem:s5+$0x10800] =	vst v13;
	s5 =	sadd.s32 $0x20, s2  }
0x12f: {  	s1 =	sor.u32 s24, s1;
	s24 =	smov.u32 s4;
	v16 =	vor.u32 $0x380, v28;
	v13 =	vor.u32 $0x100, v23;
	v27 =	vld.idx.msk [tilespmem:v27+s13+$0x0], $0xffff;
	[tilespmem:s9+$0x10800] =	vst v11  }
0x130: {  	v22 =	vor.u32 $0x180, v23;
	v15 =	vld.idx.msk [tilespmem:v28+s13+$0x0], $0xffff;
	[tilespmem:s1+$0x0] =	vst v26  }
0x131: {  	v26 =	vor.u32 $0x300, v28;
	v11 =	vshll.u32 v31, $0x3;
	v14 =	vld.idx.msk [tilespmem:v34+s13+$0x0], $0xffff;
	[tilespmem:s1+$0x80] =	vst v24  }
0x132: {  	s4 =	sor.u32 $0x200, s7;
	v23 =	vand.u32 $0x7F, v31;
	v31 =	vor.u32 $0x280, v28;
	v11 =	vand.u32 $0xFFFFFC00, v11;
	v24 =	vld.idx.msk [tilespmem:v35+s13+$0x0], $0xffff;
	[tilespmem:s1+$0x100] =	vst v25  }
0x133: {  	v23 =	vor.u32 v23, v11;
	v25 =	vld.idx.msk [tilespmem:v32+s13+$0x0], $0xffff;
	v11 =	vor.u32 $0x200, v28;
	[tilespmem:s4+$0x10800] =	vst v4;
	s4 =	sor.u32 $0x280, s7  }
0x134: {  	v28 =	vor.u32 $0x80, v23;
	v32 =	vor.u32 $0x180, v23;
	v34 =	vor.u32 $0x380, v23;
	v35 =	vld.idx.msk [tilespmem:v16+s13+$0x0], $0xffff;
	[tilespmem:s4+$0x10800] =	vst v8;
	s4 =	sor.u32 $0x300, s7  }
0x135: {  	v37 =	vor.u32 $0x100, v23;
	v38 =	vor.u32 $0x200, v23;
	v4 =	vmov v27;
	v16 =	vld.idx.msk [tilespmem:v13+s13+$0x0], $0xffff;
	[tilespmem:s4+$0x10800] =	vst v5;
	s4 =	sor.u32 $0x380, s7  }
0x136: {  	v26 =	vld.idx.msk [tilespmem:v26+s13+$0x0], $0xffff;
	[tilespmem:s4+$0x10800] =	vst v6;
	s4 =	sor.u32 $0x280, s8  }
0x137: {  	s7 =	sor.u32 $0x280, s2;
	[tilespmem:s4+$0x10800] =	vst v3;
	v3 =	vld.idx.msk [tilespmem:v31+s13+$0x0], $0xffff  }
0x138: {  	v5 =	vmov v24;
	v11 =	vld.idx.msk [tilespmem:v11+s13+$0x0], $0xffff;
	[tilespmem:s7+$0x10800] =	vst v9  }
0x139: {  	v9 =	vor.u32 $0x280, v23;
	v8 =	vmov v25;
	v6 =	vld.idx.msk [tilespmem:v33+s13+$0x0], $0xffff;
	[tilespmem:s1+$0x180] =	vst v18;
	s1 =	sor.u32 $0x200, s5  }
0x13a: {  	v18 =	vor.u32 $0x300, v23;
	v24 =	vld.idx.msk [tilespmem:v36+s13+$0x0], $0xffff;
	[tilespmem:s1+$0x10800] =	vst v29;
	s1 =	sor.u32 $0x300, s8  }
0x13b: {  	s4 =	sor.u32 $0x300, s2;
	v29 =	vld.idx.msk [tilespmem:v34+s13+$0x0], $0xffff;
	[tilespmem:s1+$0x10800] =	vst v2  }
0x13c: {  	s1 =	sor.u32 $0x380, s8;
	v2 =	vmov v26;
	v13 =	vld.idx.msk [tilespmem:v38+s13+$0x0], $0xffff;
	[tilespmem:s4+$0x10800] =	vst v7  }
0x13d: {  	s4 =	sor.u32 $0x280, s5;
	v27 =	vld.idx.msk [tilespmem:v37+s13+$0x0], $0xffff;
	[tilespmem:s1+$0x10800] =	vst v0;
	v0 =	vmov v35  }
.Ltmp4:
0x13e: {  	s1 =	sor.u32 $0x300, s5;
	v9 =	vld.idx.msk [tilespmem:v9+s13+$0x0], $0xffff;
	[tilespmem:s4+$0x10800] =	vst v21;
	(pc) =	sbr.rel @p3 .LBB2_7-.Ltmp4, $4  }
0x13f: {  	s2 =	sor.u32 $0x380, s2;
	v7 =	vld.idx.msk [tilespmem:v18+s13+$0x0], $0xffff;
	[tilespmem:s1+$0x10800] =	vst v19;
	s1 =	sor.u32 $0x380, s5  }
0x140: {  	v18 =	vld.idx.msk [tilespmem:v32+s13+$0x0], $0xffff;
	[tilespmem:s1+$0x10800] =	vst v17  }
0x141: {  	p2 =	por !p2, !p2;
	s30 =	sadd.s32 $0x40, s30;
	s1 =	sand.u32 $0x3C00, s31;
	v25 =	vld.idx.msk [tilespmem:v30+s13+$0x0], $0xffff;
	[tilespmem:s2+$0x10800] =	vst v1;
	v1 =	vmov v29  }
0x142: {  	s0 =	sadd.s32 $0x40, s0;
	s31 =	sadd.s32 $0x200, s31;
	s1 =	sadd.s32 $0x10800, s1;
	v26 =	vld.idx.msk [tilespmem:v28+s13+$0x0], $0xffff  }
0x143: {  	_ =	sdelay $0x2  }
0x144: {  	s0 =	sor.u32 s26, s1  }
0x145: {  	v17 =	vld.idx.msk [tilespmem:v23+s13+$0x0], $0xffff;
	s2 =	sor.u32 s28, s1;
	[tilespmem:s0+$0x100] =	vst v27  }
0x146: {  	v19 =	vld.idx.msk [tilespmem:v20+s13+$0x0], $0xffff;
	[tilespmem:s2+$0x0] =	vst v15  }
0x147: {  	[tilespmem:s2+$0x80] =	vst v14  }
0x148: {  	s4 =	sor.u32 s25, s1;
	[tilespmem:s2+$0x100] =	vst v24  }
0x149: {  	v21 =	vld.idx.msk [tilespmem:v22+s13+$0x0], $0xffff;
	[tilespmem:s4+$0x100] =	vst v16  }
0x14a: {  	[tilespmem:s4+$0x0] =	vst v10  }
0x14b: {  	v20 =	vor.u32 $0x380, v12;
	[tilespmem:s0+$0x180] =	vst v18  }
0x14c: {  	s5 =	simm.s32 $0x1;
	[tilespmem:s4+$0x80] =	vst v25  }
0x14d: {  	v15 =	vor.u32 $0x300, v12;
	s5 =	simm.s32 @!p1 $0x0;
	[tilespmem:s0+$0x80] =	vst v26  }
0x14e: {  	v14 =	vor.u32 $0x280, v12;
	s5 =	sshll.u32 s5, $0x6;
	[tilespmem:s0+$0x0] =	vst v17  }
0x14f: {  	v16 =	vor.u32 $0x100, v12;
	[tilespmem:s4+$0x180] =	vst v21;
	s4 =	sadd.s32 s5, s23  }
0x150: {  	v10 =	vor.u32 $0x200, v12;
	v20 =	vld.idx.msk [tilespmem:v20+s13+$0x0], $0xffff;
	[tilespmem:s2+$0x180] =	vst v19;
	s20 =	sor.u32 $0x200, s4;
	s2 =	sadd.s32 $0x30, s4  }
0x151: {  	v22 =	vor.u32 $0x180, v12;
	v17 =	vor.u32 $0x80, v12;
	v12 =	vld.idx.msk [tilespmem:v12+s13+$0x0], $0xffff;
	s25 =	sadd.s32 $0x10, s4;
	[tilespmem:s20+$0x10800] =	vst v13;
	s23 =	sor.u32 $0x200, s2  }
0x152: {  	v15 =	vld.idx.msk [tilespmem:v15+s13+$0x0], $0xffff;
	s26 =	sor.u32 $0x200, s25;
	[tilespmem:s23+$0x10800] =	vst v11  }
0x153: {  	v14 =	vld.idx.msk [tilespmem:v14+s13+$0x0], $0xffff;
	s11 =	sor.u32 $0x280, s4;
	[tilespmem:s26+$0x10800] =	vst v4  }
0x154: {  	v16 =	vld.idx.msk [tilespmem:v16+s13+$0x0], $0xffff;
	s7 =	sor.u32 $0x280, s25;
	[tilespmem:s11+$0x10800] =	vst v9  }
0x155: {  	v10 =	vld.idx.msk [tilespmem:v10+s13+$0x0], $0xffff;
	s9 =	sor.u32 $0x280, s2;
	[tilespmem:s7+$0x10800] =	vst v8  }
0x156: {  	s24 =	sor.u32 s24, s1;
	v13 =	vld.idx.msk [tilespmem:v22+s13+$0x0], $0xffff;
	[tilespmem:s9+$0x10800] =	vst v3  }
0x157: {  	s8 =	sor.u32 $0x300, s25;
	v17 =	vld.idx.msk [tilespmem:v17+s13+$0x0], $0xffff;
	[tilespmem:s24+$0x0] =	vst v12  }
0x158: {  	s23 =	sor.u32 $0x300, s2;
	[tilespmem:s8+$0x10800] =	vst v5  }
0x159: {  	[tilespmem:s23+$0x10800] =	vst v2  }
0x15a: {  	s0 =	sor.u32 $0x380, s25;
	[tilespmem:s24+$0x100] =	vst v16  }
0x15b: {  	s25 =	sor.u32 $0x380, s2;
	[tilespmem:s0+$0x10800] =	vst v6  }
0x15c: {  	[tilespmem:s25+$0x10800] =	vst v0  }
0x15d: {  	s15 =	sadd.s32 $0x20, s4;
	[tilespmem:s24+$0x180] =	vst v13  }
0x15e: {  	s20 =	sor.u32 $0x200, s15;
	[tilespmem:s24+$0x80] =	vst v17  }
0x15f: {  	s24 =	sor.u32 $0x300, s4;
	[tilespmem:s20+$0x10800] =	vst v10  }
0x160: {  	s26 =	sor.u32 $0x280, s15;
	[tilespmem:s24+$0x10800] =	vst v7  }
0x161: {  	s7 =	sor.u32 $0x380, s4;
	[tilespmem:s26+$0x10800] =	vst v14  }
0x162: {  	s5 =	sor.u32 $0x300, s15;
	[tilespmem:s7+$0x10800] =	vst v1  }
0x163: {  	s23 =	sor.u32 $0x1000, s22;
	s0 =	sor.u32 $0x380, s15;
	[tilespmem:s5+$0x10800] =	vst v15  }
0x164: {  	s28 =	simm.s32 $0x0;
	s8 =	sadd.s32 s23, s6;
	[tilespmem:s0+$0x10800] =	vst v20  }
0x165: {  	[hbm4b:s8+s28] =	stream.linear.scatter [tilespmem:s16], [sflag:$0x3], $0x4000, $0x38;
	[tilespmem:$0x18800] =	vst v63  }
0x166: {  	s24 =	sand.u32 $0x40, s28;
	_ =	swait.ge [sflag:s19], $0x4000  }
0x167: {  	s11 =	sand.u32 $0x780, s28;
	s9 =	sor.u32 $0x10, s24;
	[sflag:s19] =	ssyncset.done $0x0  }
0x168: {  	s15 =	sor.u32 s9, s11;
	[sflag:s19] =	ssyncadd.s32 $0xFFFFC000  }
0x169: {  	s26 =	sor.u32 $0x20, s24;
	v0 =	vld [tilespmem:s15+$0x0]  }
0x16a: {  	s16 =	sor.u32 s26, s11  }
0x16b: {  	v1 =	vld [tilespmem:s16+$0x0];
	_ =	sdelay $0x2  }
0x16c: {  	v2 =	vshll.u32 v0, $0x3  }
0x16d: {  	v0 =	vand.u32 $0x7F, v0;
	v2 =	vand.u32 $0xFFFFFC00, v2  }
0x16e: {  	v3 =	vshll.u32 v1, $0x3;
	v5 =	vor.u32 v0, v2  }
0x16f: {  	v0 =	vand.u32 $0x7F, v1;
	v1 =	vand.u32 $0xFFFFFC00, v3;
	v2 =	vadd.s32 $0x4380, v5  }
0x170: {  	s25 =	sor.u32 $0x30, s24;
	v3 =	vor.u32 v0, v1;
	v1 =	vadd.s32 $0x4100, v5  }
0x171: {  	s1 =	sor.u32 s25, s11;
	v11 =	vadd.s32 $0x4300, v5  }
0x172: {  	v6 =	vld [tilespmem:s1+$0x0];
	v13 =	vadd.s32 $0x4280, v5  }
0x173: {  	v9 =	vld [tilespmem:s28+$0x0];
	v4 =	vadd.s32 $0x4380, v3  }
0x174: {  	v7 =	vadd.s32 $0x4300, v3;
	v0 =	vld.idx.msk [tilespmem:v2+s13+$0x0], $0xffff  }
0x175: {  	v8 =	vadd.s32 $0x4000, v3;
	v17 =	vld.idx.msk [tilespmem:v1+s13+$0x0], $0xffff  }
0x176: {  	v10 =	vadd.s32 $0x4200, v3;
	v18 =	vld.idx.msk [tilespmem:v11+s13+$0x0], $0xffff  }
0x177: {  	v21 =	vld.idx.msk [tilespmem:v13+s13+$0x0], $0xffff  }
0x178: {  	v15 =	vadd.s32 $0x4180, v5;
	v1 =	vld.idx.msk [tilespmem:v4+s13+$0x0], $0xffff  }
0x179: {  	v14 =	vadd.s32 $0x4280, v3;
	v2 =	vld.idx.msk [tilespmem:v7+s13+$0x0], $0xffff  }
0x17a: {  	v11 =	vadd.s32 $0x4080, v5;
	v13 =	vshll.u32 v9, $0x3;
	v9 =	vand.u32 $0x7F, v9;
	v12 =	vld.idx.msk [tilespmem:v8+s13+$0x0], $0xffff  }
0x17b: {  	v7 =	vadd.s32 $0x4000, v5;
	v8 =	vadd.s32 $0x4100, v3;
	v4 =	vld.idx.msk [tilespmem:v10+s13+$0x0], $0xffff;
	v10 =	vshll.u32 v6, $0x3  }
0x17c: {  	v6 =	vand.u32 $0x7F, v6;
	v13 =	vand.u32 $0xFFFFFC00, v13;
	v10 =	vand.u32 $0xFFFFFC00, v10  }
0x17d: {  	v28 =	vld.idx.msk [tilespmem:v15+s13+$0x0], $0xffff;
	v23 =	vor.u32 v9, v13;
	v10 =	vor.u32 v6, v10;
	v6 =	vadd.s32 $0x4200, v5  }
0x17e: {  	v5 =	vld.idx.msk [tilespmem:v14+s13+$0x0], $0xffff;
	v15 =	vadd.s32 $0x4200, v23  }
0x17f: {  	v22 =	vadd.s32 $0x4380, v23;
	v29 =	vld.idx.msk [tilespmem:v11+s13+$0x0], $0xffff  }
0x180: {  	v14 =	vadd.s32 $0x4080, v10;
	v26 =	vld.idx.msk [tilespmem:v7+s13+$0x0], $0xffff  }
0x181: {  	v32 =	vadd.s32 $0x4080, v23;
	v20 =	vld.idx.msk [tilespmem:v8+s13+$0x0], $0xffff  }
0x182: {  	v7 =	vadd.s32 $0x4100, v10;
	v27 =	vld.idx.msk [tilespmem:v6+s13+$0x0], $0xffff  }
0x183: {  	s20 =	sand.u32 $0x3C00, s28;
	v8 =	vadd.s32 $0x4000, v10;
	v6 =	vld.idx.msk [tilespmem:v15+s13+$0x0], $0xffff  }
0x184: {  	s2 =	sadd.s32 $0x14800, s20;
	v16 =	vadd.s32 $0x4180, v3;
	v30 =	vadd.s32 $0x4100, v23;
	v11 =	vadd.s32 $0x4080, v3;
	v3 =	vld.idx.msk [tilespmem:v22+s13+$0x0], $0xffff  }
0x185: {  	s20 =	sor.u32 s9, s2;
	v24 =	vadd.s32 $0x4280, v23;
	v9 =	vld.idx.msk [tilespmem:v14+s13+$0x0], $0xffff  }
0x186: {  	s29 =	simm.s32 $0x0;
	p1 =	por $0x0, $0x0;
	s4 =	simm.s32 $0x1;
	v31 =	vadd.s32 $0x4300, v23;
	[tilespmem:s20+$0x80] =	vst v29;
	v29 =	vld.idx.msk [tilespmem:v32+s13+$0x0], $0xffff  }
0x187: {  	s30 =	simm.s32 $0x40;
	s31 =	simm.s32 $0x0;
	s4 =	simm.s32 @!p1 $0x0;
	v25 =	vadd.s32 $0x4000, v23;
	v19 =	vadd.s32 $0x4180, v10;
	v15 =	vadd.s32 $0x4280, v10;
	v13 =	vld.idx.msk [tilespmem:v7+s13+$0x0], $0xffff  }
0x188: {  	p1 =	por !p1, !p1;
	s4 =	sshll.u32 s4, $0x6;
	s0 =	simm.s32 $0x0;
	v22 =	vadd.s32 $0x4180, v23;
	v14 =	vadd.s32 $0x4200, v10;
	v7 =	vld.idx.msk [tilespmem:v8+s13+$0x0], $0xffff;
	v8 =	vadd.s32 $0x4300, v10  }
.LBB2_9:
0x189: {  	s7 =	sand.u32 $0x40, s30;
	s29 =	sadd.s32 $0x4, s29;
	v30 =	vld.idx.msk [tilespmem:v30+s13+$0x0], $0xffff;
	s28 =	sadd.s32 $0x200, s28  }
0x18a: {  	s5 =	sand.u32 $0x780, s30;
	s1 =	sor.u32 $0x10, s7;
	s15 =	sor.u32 $0x20, s7;
	v24 =	vld.idx.msk [tilespmem:v24+s13+$0x0], $0xffff  }
0x18b: {  	s8 =	sor.u32 $0x30, s7;
	s9 =	sor.u32 s1, s5;
	s11 =	sor.u32 s15, s5;
	v23 =	vld.idx.msk [tilespmem:v31+s13+$0x0], $0xffff  }
0x18c: {  	p2 =	slt.u32 s29, $0x7C;
	s16 =	sor.u32 s8, s5;
	s5 =	sadd.s32 s4, s31;
	v31 =	vld [tilespmem:s9+$0x0];
	[tilespmem:s20+$0x100] =	vst v17  }
0x18d: {  	s4 =	sadd.s32 $0x10, s5;
	s9 =	sadd.s32 $0x30, s5;
	v17 =	vld [tilespmem:s11+$0x0];
	[tilespmem:s20+$0x180] =	vst v28;
	s11 =	sadd.s32 $0x20, s5  }
0x18e: {  	s31 =	smov.u32 s28;
	v28 =	vld [tilespmem:s16+$0x0];
	[tilespmem:s20+$0x0] =	vst v26;
	s16 =	sor.u32 $0x200, s4  }
0x18f: {  	v25 =	vld.idx.msk [tilespmem:v25+s13+$0x0], $0xffff;
	[tilespmem:s16+$0x14800] =	vst v27;
	s16 =	sor.u32 $0x280, s4  }
0x190: {  	[tilespmem:s16+$0x14800] =	vst v21;
	s16 =	sor.u32 $0x300, s4;
	v16 =	vld.idx.msk [tilespmem:v16+s13+$0x0], $0xffff  }
0x191: {  	v10 =	vadd.s32 $0x4380, v10;
	v21 =	vand.u32 $0x7F, v31;
	v26 =	vshll.u32 v31, $0x3;
	[tilespmem:s16+$0x14800] =	vst v18;
	v18 =	vld.idx.msk [tilespmem:v11+s13+$0x0], $0xffff;
	s16 =	sor.u32 s26, s2;
	s26 =	smov.u32 s15  }
0x192: {  	v11 =	vand.u32 $0xFFFFFC00, v26;
	v26 =	vand.u32 $0x7F, v17;
	v17 =	vshll.u32 v17, $0x3;
	[tilespmem:s16+$0x0] =	vst v12;
	v12 =	vld.idx.msk [tilespmem:v19+s13+$0x0], $0xffff  }
0x193: {  	s20 =	sor.u32 s24, s2;
	s24 =	smov.u32 s7;
	v21 =	vor.u32 v21, v11;
	v11 =	vand.u32 $0xFFFFFC00, v17;
	v17 =	vshll.u32 v28, $0x3;
	v27 =	vld.idx.msk [tilespmem:v22+s13+$0x0], $0xffff;
	[tilespmem:s16+$0x100] =	vst v20  }
0x194: {  	v20 =	vadd.s32 $0x4000, v21;
	v19 =	vadd.s32 $0x4380, v21;
	v22 =	vor.u32 v26, v11;
	[tilespmem:s20+$0x80] =	vst v29;
	v29 =	vld.idx.msk [tilespmem:v14+s13+$0x0], $0xffff  }
0x195: {  	s0 =	sadd.s32 $0x40, s0;
	v28 =	vand.u32 $0x7F, v28;
	v14 =	vadd.s32 $0x4100, v21;
	v26 =	vadd.s32 $0x4000, v22;
	[tilespmem:s20+$0x100] =	vst v30;
	v32 =	vld.idx.msk [tilespmem:v15+s13+$0x0], $0xffff  }
0x196: {  	v17 =	vand.u32 $0xFFFFFC00, v17;
	v11 =	vadd.s32 $0x4080, v22;
	v30 =	vadd.s32 $0x4380, v22;
	v15 =	vld [tilespmem:s0+$0x0];
	[tilespmem:s16+$0x180] =	vst v16  }
0x197: {  	v31 =	vadd.s32 $0x4100, v22;
	v33 =	vadd.s32 $0x4280, v22;
	v34 =	vadd.s32 $0x4300, v22;
	[tilespmem:s20+$0x0] =	vst v25;
	v35 =	vld.idx.msk [tilespmem:v8+s13+$0x0], $0xffff  }
0x198: {  	s2 =	sor.u32 s25, s2;
	s25 =	smov.u32 s8;
	v36 =	vadd.s32 $0x4080, v21;
	v37 =	vadd.s32 $0x4300, v21;
	v16 =	vadd.s32 $0x4180, v22;
	[tilespmem:s16+$0x80] =	vst v18;
	v38 =	vld.idx.msk [tilespmem:v10+s13+$0x0], $0xffff  }
0x199: {  	s7 =	sor.u32 $0x200, s11;
	v39 =	vadd.s32 $0x4180, v21;
	v18 =	vadd.s32 $0x4200, v22;
	v10 =	vor.u32 v28, v17;
	v40 =	vld.idx.msk [tilespmem:v19+s13+$0x0], $0xffff;
	[tilespmem:s2+$0x180] =	vst v12  }
0x19a: {  	v28 =	vadd.s32 $0x4280, v21;
	v41 =	vadd.s32 $0x4000, v10;
	v42 =	vadd.s32 $0x4100, v10;
	v17 =	vld.idx.msk [tilespmem:v14+s13+$0x0], $0xffff;
	[tilespmem:s7+$0x14800] =	vst v4  }
0x19b: {  	v44 =	vadd.s32 $0x4080, v10;
	v8 =	vadd.s32 $0x4300, v10;
	v4 =	vshll.u32 v15, $0x3;
	v43 =	vld.idx.msk [tilespmem:v30+s13+$0x0], $0xffff;
	[tilespmem:s2+$0x100] =	vst v13  }
0x19c: {  	v14 =	vadd.s32 $0x4200, v10;
	s7 =	sor.u32 $0x280, s11;
	v12 =	vand.u32 $0x7F, v15;
	v4 =	vand.u32 $0xFFFFFC00, v4;
	v13 =	vld.idx.msk [tilespmem:v34+s13+$0x0], $0xffff;
	[tilespmem:s2+$0x80] =	vst v9  }
0x19d: {  	v19 =	vadd.s32 $0x4180, v10;
	v15 =	vadd.s32 $0x4280, v10;
	v9 =	vor.u32 v12, v4;
	v12 =	vld.idx.msk [tilespmem:v26+s13+$0x0], $0xffff;
	[tilespmem:s7+$0x14800] =	vst v5;
	s7 =	sor.u32 $0x300, s11  }
0x19e: {  	v25 =	vadd.s32 $0x4000, v9;
	v34 =	vadd.s32 $0x4080, v9;
	v45 =	vadd.s32 $0x4200, v9;
	v4 =	vld.idx.msk [tilespmem:v18+s13+$0x0], $0xffff;
	[tilespmem:s7+$0x14800] =	vst v2;
	s7 =	sor.u32 $0x380, s11  }
0x19f: {  	v46 =	vadd.s32 $0x4200, v21;
	v30 =	vadd.s32 $0x4100, v9;
	v22 =	vadd.s32 $0x4180, v9;
	v18 =	vld.idx.msk [tilespmem:v37+s13+$0x0], $0xffff;
	[tilespmem:s7+$0x14800] =	vst v1  }
0x1a0: {  	v21 =	vld.idx.msk [tilespmem:v28+s13+$0x0], $0xffff;
	[tilespmem:s2+$0x0] =	vst v7  }
0x1a1: {  	s2 =	sor.u32 $0x200, s5;
	v1 =	vmov v43;
	v5 =	vld.idx.msk [tilespmem:v33+s13+$0x0], $0xffff;
	[tilespmem:s20+$0x180] =	vst v27  }
0x1a2: {  	v2 =	vmov v13;
	v26 =	vld.idx.msk [tilespmem:v20+s13+$0x0], $0xffff;
	[tilespmem:s2+$0x14800] =	vst v6;
	s2 =	sor.u32 $0x280, s5  }
0x1a3: {  	v33 =	vadd.s32 $0x4380, v9;
	v20 =	vld.idx.msk [tilespmem:v31+s13+$0x0], $0xffff;
	[tilespmem:s2+$0x14800] =	vst v24;
	s2 =	sor.u32 $0x380, s4  }
0x1a4: {  	v24 =	vadd.s32 $0x4280, v9;
	s4 =	sor.u32 $0x300, s5;
	v28 =	vld.idx.msk [tilespmem:v39+s13+$0x0], $0xffff;
	[tilespmem:s2+$0x14800] =	vst v0;
	v0 =	vmov v40  }
0x1a5: {  	v31 =	vadd.s32 $0x4300, v9;
	s2 =	sor.u32 $0x200, s9;
	v36 =	vld.idx.msk [tilespmem:v36+s13+$0x0], $0xffff;
	[tilespmem:s4+$0x14800] =	vst v23  }
0x1a6: {  	v27 =	vld.idx.msk [tilespmem:v46+s13+$0x0], $0xffff;
	[tilespmem:s2+$0x14800] =	vst v29;
	s2 =	sor.u32 $0x280, s9  }
0x1a7: {  	s4 =	sor.u32 $0x380, s5;
	v9 =	vld.idx.msk [tilespmem:v44+s13+$0x0], $0xffff;
	[tilespmem:s2+$0x14800] =	vst v32;
	s2 =	sor.u32 $0x300, s9  }
.Ltmp5:
0x1a8: {  	s7 =	sor.u32 $0x380, s9;
	s5 =	sand.u32 $0x3C00, s28;
	v13 =	vld.idx.msk [tilespmem:v42+s13+$0x0], $0xffff;
	[tilespmem:s2+$0x14800] =	vst v35;
	(pc) =	sbr.rel @p2 .LBB2_9-.Ltmp5, $4  }
0x1a9: {  	s2 =	sadd.s32 $0x14800, s5;
	v7 =	vld.idx.msk [tilespmem:v41+s13+$0x0], $0xffff;
	[tilespmem:s7+$0x14800] =	vst v38  }
0x1aa: {  	s20 =	sor.u32 s1, s2;
	s1 =	simm.s32 $0x1;
	v6 =	vld.idx.msk [tilespmem:v45+s13+$0x0], $0xffff;
	[tilespmem:s4+$0x14800] =	vst v3  }
0x1ab: {  	s1 =	simm.s32 @!p1 $0x0;
	v3 =	vld.idx.msk [tilespmem:v33+s13+$0x0], $0xffff;
	[tilespmem:s20+$0x80] =	vst v36  }
0x1ac: {  	s30 =	sadd.s32 $0x40, s30;
	p1 =	por !p1, !p1;
	s4 =	sshll.u32 s1, $0x6;
	v29 =	vld.idx.msk [tilespmem:v34+s13+$0x0], $0xffff  }
0x1ad: {  	_ =	sdelay $0x2  }
0x1ae: {  	[tilespmem:s20+$0x100] =	vst v17  }
0x1af: {  	v60 =	vld.idx.msk [tilespmem:v30+s13+$0x0], $0xffff;
	[tilespmem:s20+$0x180] =	vst v28  }
0x1b0: {  	s0 =	sadd.s32 s4, s31;
	[tilespmem:s20+$0x0] =	vst v26;
	v16 =	vld.idx.msk [tilespmem:v16+s13+$0x0], $0xffff;
	s29 =	sor.u32 s26, s2  }
0x1b1: {  	v11 =	vld.idx.msk [tilespmem:v11+s13+$0x0], $0xffff;
	s1 =	sadd.s32 $0x10, s0;
	[tilespmem:s29+$0x0] =	vst v12  }
0x1b2: {  	v23 =	vld.idx.msk [tilespmem:v24+s13+$0x0], $0xffff;
	[tilespmem:s29+$0x100] =	vst v20;
	s16 =	sor.u32 $0x200, s1  }
0x1b3: {  	v61 =	vld.idx.msk [tilespmem:v31+s13+$0x0], $0xffff;
	s20 =	sor.u32 $0x280, s1;
	[tilespmem:s16+$0x14800] =	vst v27  }
0x1b4: {  	v62 =	vld.idx.msk [tilespmem:v25+s13+$0x0], $0xffff;
	s5 =	sor.u32 s24, s2;
	[tilespmem:s20+$0x14800] =	vst v21  }
0x1b5: {  	v63 =	vld.idx.msk [tilespmem:v22+s13+$0x0], $0xffff;
	s28 =	sor.u32 $0x300, s1;
	[tilespmem:s5+$0x80] =	vst v29  }
0x1b6: {  	v10 =	vadd.s32 $0x4380, v10;
	v19 =	vld.idx.msk [tilespmem:v19+s13+$0x0], $0xffff;
	[tilespmem:s28+$0x14800] =	vst v18  }
0x1b7: {  	[tilespmem:s5+$0x100] =	vst v60  }
0x1b8: {  	v14 =	vld.idx.msk [tilespmem:v14+s13+$0x0], $0xffff;
	[tilespmem:s29+$0x180] =	vst v16  }
0x1b9: {  	v15 =	vld.idx.msk [tilespmem:v15+s13+$0x0], $0xffff;
	[tilespmem:s5+$0x0] =	vst v62  }
0x1ba: {  	v8 =	vld.idx.msk [tilespmem:v8+s13+$0x0], $0xffff;
	s30 =	sor.u32 s25, s2;
	[tilespmem:s29+$0x80] =	vst v11  }
0x1bb: {  	v10 =	vld.idx.msk [tilespmem:v10+s13+$0x0], $0xffff;
	[tilespmem:s30+$0x180] =	vst v19  }
0x1bc: {  	[tilespmem:s30+$0x100] =	vst v13  }
0x1bd: {  	[tilespmem:s30+$0x80] =	vst v9  }
0x1be: {  	s7 =	sadd.s32 $0x20, s0;
	[tilespmem:s30+$0x0] =	vst v7  }
0x1bf: {  	s31 =	sor.u32 $0x200, s7;
	[tilespmem:s5+$0x180] =	vst v63  }
0x1c0: {  	s15 =	sor.u32 $0x200, s0;
	[tilespmem:s31+$0x14800] =	vst v4  }
0x1c1: {  	s1 =	sor.u32 $0x380, s1;
	s20 =	sadd.s32 $0x30, s0;
	[tilespmem:s15+$0x14800] =	vst v6  }
0x1c2: {  	s25 =	sor.u32 $0x200, s20;
	[tilespmem:s1+$0x14800] =	vst v0  }
0x1c3: {  	s8 =	sor.u32 $0x280, s7;
	[tilespmem:s25+$0x14800] =	vst v14  }
0x1c4: {  	s16 =	sor.u32 $0x280, s0;
	[tilespmem:s8+$0x14800] =	vst v5  }
0x1c5: {  	s26 =	sor.u32 $0x280, s20;
	[tilespmem:s16+$0x14800] =	vst v23  }
0x1c6: {  	s9 =	sor.u32 $0x300, s7;
	[tilespmem:s26+$0x14800] =	vst v15  }
0x1c7: {  	s24 =	sor.u32 $0x300, s0;
	[tilespmem:s9+$0x14800] =	vst v2  }
0x1c8: {  	s28 =	sor.u32 $0x300, s20;
	[tilespmem:s24+$0x14800] =	vst v61  }
.Ltmp6:
0x1c9: {  	s11 =	sor.u32 $0x380, s7;
	[tilespmem:s28+$0x14800] =	vst v8;
	(pc) =	sbr.rel @p0 .LBB2_12-.Ltmp6, $4  }
0x1ca: {  	s0 =	sor.u32 $0x380, s0;
	[tilespmem:s11+$0x14800] =	vst v1  }
0x1cb: {  	s29 =	sor.u32 $0x380, s20;
	[tilespmem:s0+$0x14800] =	vst v3  }
0x1cc: {  	s30 =	sadd.s32 s10, s23;
	s31 =	simm.s32 $0x14800;
	[tilespmem:s29+$0x14800] =	vst v10  }
0x1cd: {  	[hbm4b:s30+s3] =	stream.linear.scatter [tilespmem:s31], [sflag:$0x4], $0x4000, $0x38;
	[tilespmem:$0x18800] =	vst v63  }
.Ltmp7:
0x1ce: {  	(pc) =	sbr.rel .LBB2_2-.Ltmp7, $4  }
0x1cf: {  	_ = 	snop  }
0x1d0: {  	s0 =	rddreg [dreg:$0x7]  }
0x1d1: {  	s21 =	sadd.s32 $0x1, s21;
	s16 =	simm.s32 $0x10800;
	s0 =	sadd.s32 s22, s0  }
0x1d2: {  	[tilespmem:s13], [sflag:$0x2] =	stream.linear.gather [hbm4b:s0+s3], $0x8000, $0x38;
	[tilespmem:$0x18800] =	vst v63  }
.LBB2_13:
0x1d3: {  	_ =	sfence.sel $0x180000  }
0x1d4: {  	[bflag:$0x0] =	sbarrier.arrive $0xFFFF  }
0x1d5: {  	_ =	strace $0x90000047  }
0x1d6: {  	s0 =	stileid.u32;
	[bflag:$0x2] =	sbarrier.arrive $0xFFFF  }
0x1d7: {  	p0 =	sne.s32 s0, $0x0;
	s0 =	rddreg [dreg:$0x3]  }
0x1d8: {  	s0 =	sadd.s32 @!p0 $0x100000, s0  }
0x1d9: {  	[sflag:s0] =	ssyncadd.tile.s32 @!p0 $0x1;
	_ =	shalt  }
.Lfunc_end2:
_tile_overlayer_lowered:
.L_overlay_start_2:
0x1da: {  	(tag) =	ssettag $0x2  }
0x1db: {  	s0 =	rddreg [dreg:$0x0];
	s2 =	stileid.u32  }
0x1dc: {  	s1 =	rddreg [dreg:$0x1];
	p0 =	sne.s32 s2, $0x0  }
0x1dd: {  	s3 =	rddreg [dreg:$0x2];
	[bflag:$0x3] =	sbarrier.arrive $0xFFFF;
	s2 =	simm.s32 @!p0 $0x1C05  }
0x1de: {  	[timem:s3], [sflag:s2] =	dma.local @!p0 [hbm:s0], s1  }
0x1df: {  	s0 =	simm.s32 @!p0 $0x5  }
0x1e0: {  	_ =	swait.ge @!p0 [sflag:s0], s1  }
0x1e1: {  	s1 =	ssub.s32 @!p0 $0x0, s1;
	[sflag:s0] =	ssyncset.done @!p0 $0x0  }
0x1e2: {  	[sflag:s0] =	ssyncadd.s32 @!p0 s1  }
0x1e3: {  	[bflag:$0x3] =	sbarrier.arrive $0xFFFF  }
0x1e4: {  	_ =	shalt  }

</sc_bundles>
